<compile_context>
chip_gen: v7x
topology: tpu7x:2x2x1
jax: 0.10.2.dev20260603
libtpu: 0.0.44.dev20260713+nightly
codegen_flags: <defaults>
</compile_context>

<pallas_src>
import functools

import numpy as np
import jax
import jax.numpy as jnp
from jax import lax
from jax.experimental import pallas as pl
from jax.experimental.pallas import tpu as pltpu
from jax.experimental.pallas import tpu_sc as plsc

_N = 4000000
_DIM = 2
_OMEGA_BATCH = 32768
_BORDER_BATCH = 1024
_N_FACETS = 2 * _DIM
_FACET_PTS = 40000 // _N_FACETS

_NC, _NS = 2, 16
_NW = _NC * _NS
_CHUNK = 128



_ROT_A = (13, 15, 26, 6)
_ROT_B = (17, 29, 16, 24)


def _rotl(x, d):
    return (x << np.uint32(d)) | (x >> np.uint32(32 - d))


def _tf2x32(k1, k2, x0, x1):
    k1 = np.uint32(k1)
    k2 = np.uint32(k2)
    ks = (k1, k2, np.uint32(k1 ^ k2 ^ np.uint32(0x1BD11BDA)))
    x0 = (x0 + ks[0]).astype(np.uint32)
    x1 = (x1 + ks[1]).astype(np.uint32)
    rots = (_ROT_A, _ROT_B, _ROT_A, _ROT_B, _ROT_A)
    for i in range(5):
        for r in rots[i]:
            x0 = (x0 + x1).astype(np.uint32)
            x1 = _rotl(x1, r)
            x1 = x1 ^ x0
        x0 = (x0 + ks[(i + 1) % 3]).astype(np.uint32)
        x1 = (x1 + ks[(i + 2) % 3] + np.uint32(i + 1)).astype(np.uint32)
    return x0, x1


def _np_split(key, n):
    lo = np.arange(n, dtype=np.uint32)
    hi = np.zeros(n, dtype=np.uint32)
    b1, b2 = _tf2x32(key[0], key[1], hi, lo)
    return np.stack([b1, b2], axis=1)


def _np_bits32(key, n):
    lo = np.arange(n, dtype=np.uint32)
    hi = np.zeros(n, dtype=np.uint32)
    b1, b2 = _tf2x32(key[0], key[1], hi, lo)
    return b1 ^ b2


def _perm_prefix_np(subkey, n, batch, num_rounds):
    k = subkey
    argsorts = []
    for _ in range(num_rounds):
        pair = _np_split(k, 2)
        k, sk = pair[0], pair[1]
        bits = _np_bits32(sk, n)
        argsorts.append(np.argsort(bits, kind="stable"))
    idx = argsorts[-1][:batch]
    for s in reversed(argsorts[:-1]):
        idx = s[idx]
    return idx


def _const_flat_indices():
    key = np.array([0, 42], dtype=np.uint32)
    key, k_in, k_b = _np_split(key, 3)
    sub = _np_split(k_in, 2)[1]
    idx_o = _perm_prefix_np(sub, _N, _OMEGA_BATCH, 3)
    subb = _np_split(k_b, 2)[1]
    idx_b = _perm_prefix_np(subb, _FACET_PTS, _BORDER_BATCH, 2)
    i64 = idx_o.astype(np.int64)
    src_o = ((i64 // 128)[:, None] * 256
             + np.arange(_DIM, dtype=np.int64) * 128
             + (i64 % 128)[:, None])
    flat_o = (src_o.T.reshape(_DIM, -1, _CHUNK)
              .transpose(1, 0, 2)
              .reshape(-1).astype(np.int32))
    b64 = idx_b.astype(np.int64)
    src_b = (np.arange(_DIM, dtype=np.int64)[:, None, None] * (4 * _FACET_PTS)
             + np.arange(_N_FACETS, dtype=np.int64)[None, :, None] * _FACET_PTS
             + b64[None, None, :])
    flat_b = (src_b.reshape(_DIM, _N_FACETS, -1, _CHUNK)
              .transpose(0, 2, 1, 3)
              .reshape(-1).astype(np.int32))
    flat_o = flat_o.reshape(_NW, -1, _CHUNK)
    flat_b = flat_b.reshape(_NW, -1, _CHUNK)
    return flat_o, flat_b


_FLAT_O, _FLAT_B = _const_flat_indices()


def _make_gather_kernel(o_chunks, b_chunks):
    mesh = plsc.VectorSubcoreMesh(core_axis_name="c", subcore_axis_name="s")

    @functools.partial(
        pl.kernel,
        mesh=mesh,
        out_type=[
            jax.ShapeDtypeStruct((_NW, o_chunks, _CHUNK), jnp.float32),
            jax.ShapeDtypeStruct((_NW, b_chunks, _CHUNK), jnp.float32),
        ],
        scratch_types=[
            pltpu.VMEM((o_chunks, _CHUNK), jnp.int32),
            pltpu.VMEM((o_chunks, _CHUNK), jnp.float32),
            pltpu.VMEM((b_chunks, _CHUNK), jnp.int32),
            pltpu.VMEM((b_chunks, _CHUNK), jnp.float32),
            pltpu.SemaphoreType.DMA,
        ],
    )
    def gather_k(omega_hbm, oidx_hbm, border_hbm, bidx_hbm,
                 out_o, out_b, oidx_v, orows_v, bidx_v, brows_v, sem):
        wid = lax.axis_index("s") * _NC + lax.axis_index("c")
        pltpu.sync_copy(oidx_hbm.at[wid], oidx_v)
        pltpu.sync_copy(bidx_hbm.at[wid], bidx_v)
        handles = []
        for j in range(o_chunks):
            handles.append(
                pltpu.async_copy(omega_hbm.at[oidx_v.at[j]], orows_v.at[j], sem))
        for j in range(b_chunks):
            handles.append(
                pltpu.async_copy(border_hbm.at[bidx_v.at[j]], brows_v.at[j], sem))
        for h in handles:
            h.wait()
        pltpu.sync_copy(orows_v, out_o.at[wid])
        pltpu.sync_copy(brows_v, out_b.at[wid])

    return gather_k


def kernel(omega, omega_border):
    flat_o, flat_b = _FLAT_O, _FLAT_B
    o_chunks, b_chunks = flat_o.shape[1], flat_b.shape[1]
    gather_k = _make_gather_kernel(o_chunks, b_chunks)
    omega_flat = lax.reshape(omega.reshape(_N // 128, 128, _DIM),
                             (_N * _DIM,), dimensions=(0, 2, 1))
    border_flat = omega_border.transpose(1, 2, 0).reshape(-1)
    out_o, out_b = gather_k(
        omega_flat,
        jnp.asarray(flat_o),
        border_flat,
        jnp.asarray(flat_b),
    )
    omega_batch = (out_o.reshape(_OMEGA_BATCH // _CHUNK, _DIM, _CHUNK)
                   .transpose(0, 2, 1).reshape(_OMEGA_BATCH, _DIM))
    border_batch = (out_b.reshape(_DIM, _BORDER_BATCH // _CHUNK, _N_FACETS, _CHUNK)
                    .transpose(1, 3, 0, 2).reshape(_BORDER_BATCH, _DIM, _N_FACETS))
    return (omega_batch, border_batch)

# --- scband reference (transcript-rebuilt; emitter-appended) ---
"""Pipeline reference for scband-cubic-mesh-pdestatio-44985487458547 (READ-ONLY COPY).

The authoritative reference and input builder live on the scoring server;
editing this copy changes nothing except your own understanding.
"""

import jax, jax.numpy as jnp
import numpy as np

N = 4000000
DIM = 2
NB = 40000
OMEGA_BATCH = 32768
BORDER_BATCH = 1024
N_FACETS = 2 * DIM
FACET_PTS = NB // N_FACETS


def setup_inputs(seed: int = 0) -> dict:
    key = jax.random.key(seed)
    k1, k2 = jax.random.split(key)
    # uniform sampling over the cube [min_pts, max_pts]^dim, as in method='uniform'
    omega = jax.random.uniform(k1, (N, DIM), dtype=jnp.float32, minval=0.0, maxval=1.0)
    # border points laid out as (nb // (2*dim), dim, 2*dim) like the class's omega_border
    omega_border = jax.random.uniform(k2, (FACET_PTS, DIM, N_FACETS), dtype=jnp.float32, minval=0.0, maxval=1.0)
    return {"omega": omega, "omega_border": omega_border}


def _reset_or_increment(bend, n_eff, key, domain, curr_idx, batch_size):
    # faithful translation of _reset_or_increment / _reset_batch_idx_and_permute /
    # _increment_batch_idx with p=None (no RAR): full reshuffle when the epoch is exhausted
    def _reset(op):
        key, domain, curr_idx = op
        key, subkey = jax.random.split(key)
        perm = jax.random.permutation(subkey, domain.shape[0])
        return (key, jnp.take(domain, perm, axis=0), jnp.int32(0))

    def _inc(op):
        key, domain, curr_idx = op
        return (key, domain, curr_idx + jnp.int32(batch_size))

    return jax.lax.cond(bend > n_eff, _reset, _inc, (key, domain, curr_idx))


def reference(omega, omega_border):
    key = jax.random.key(42)
    key, k_in, k_b = jax.random.split(key, 3)

    # ---- interior (omega) batch ----
    # a fresh generator sets curr_omega_idx = n + batch_size so the first get_batch reshuffles
    n_eff = omega.shape[0]
    curr_idx = jnp.int32(n_eff + OMEGA_BATCH)
    bend = curr_idx + jnp.int32(OMEGA_BATCH)
    k_in, omega_p, curr_idx = _reset_or_increment(bend, n_eff, k_in, omega, curr_idx, OMEGA_BATCH)
    omega_batch = jax.lax.dynamic_slice(
        omega_p, (curr_idx, jnp.int32(0)), (OMEGA_BATCH, DIM)
    )

    # ---- border batch (dim=2: nb//4 points per facet, 4 facets) ----
    nb_eff = omega_border.shape[0]
    curr_b = jnp.int32(nb_eff + BORDER_BATCH)
    bend_b = curr_b + jnp.int32(BORDER_BATCH)
    k_b, border_p, curr_b = _reset_or_increment(bend_b, nb_eff, k_b, omega_border, curr_b, BORDER_BATCH)
    border_batch = jax.lax.dynamic_slice(
        border_p, (curr_b, jnp.int32(0), jnp.int32(0)), (BORDER_BATCH, DIM, N_FACETS)
    )

    return (omega_batch, border_batch)

if __name__ == "__main__":
    import jax
    _d = setup_inputs()
    print(jax.jit(kernel)(*tuple(_d.values())))

</pallas_src>

<mosaic_0001>
#map = affine_map<(d0, d1) -> (0)>
#map1 = affine_map<(d0, d1) -> (0, 0, 0)>
module attributes {stable_mosaic.version = 14 : i64} {
  func.func @gather_k(%arg0: i32, %arg1: i32, %arg2: memref<8000000xf32, #tpu.memory_space<hbm>>, %arg3: memref<32x16x128xi32, #tpu.memory_space<hbm>>, %arg4: memref<80000xf32, #tpu.memory_space<hbm>>, %arg5: memref<32x2x128xi32, #tpu.memory_space<hbm>>, %arg6: memref<32x16x128xf32, #tpu.memory_space<hbm>>, %arg7: memref<32x2x128xf32, #tpu.memory_space<hbm>>, %arg8: memref<16x128xi32, #tpu.memory_space<vmem>>, %arg9: memref<16x128xf32, #tpu.memory_space<vmem>>, %arg10: memref<2x128xi32, #tpu.memory_space<vmem>>, %arg11: memref<2x128xf32, #tpu.memory_space<vmem>>, %arg12: memref<!tpu.dma_semaphore, #tpu.memory_space<semaphore_mem>>) attributes {dimension_semantics = [#tpu.dimension_semantics<core_parallel>, #tpu.dimension_semantics<subcore_parallel>], iteration_bounds = array<i64: 2, 16>, scalar_prefetch = 0 : i64, scratch_operands = 5 : i64, tpu.core_type = #tpu.core_type<sc_vector_subcore>, window_params = [{transform_indices = #map}, {transform_indices = #map1}, {transform_indices = #map}, {transform_indices = #map1}, {transform_indices = #map1}, {transform_indices = #map1}]} {
    %mul3A = arith.constant 2 : i32
    %mul3A_0 = arith.muli %arg1, %mul3A : i32
    %add3A = arith.addi %mul3A_0, %arg0 : i32
    "tpu.region"() ({
      %run_scoped3A = tpu.sem_alloc : memref<!tpu.dma_semaphore, #tpu.memory_space<semaphore_mem>>
      %dma_start3A_359 = arith.constant 0 : i32
      %dma_start3A_360 = arith.constant 0 : i32
      %dma_start3A_361 = tpu.memref_slice %arg3[%add3A, %dma_start3A_359, %dma_start3A_360] : memref<32x16x128xi32, #tpu.memory_space<hbm>> -> memref<1x16x128xi32, #tpu.memory_space<hbm>>
      %dma_start3A_362 = tpu.memref_squeeze %dma_start3A_361 : memref<1x16x128xi32, #tpu.memory_space<hbm>> -> memref<16x128xi32, #tpu.memory_space<hbm>>
      %dma_start3A_363 = arith.constant 0 : i32
      %dma_start3A_364 = arith.constant 0 : i32
      %dma_start3A_365 = tpu.memref_slice %arg3[%add3A, %dma_start3A_363, %dma_start3A_364] : memref<32x16x128xi32, #tpu.memory_space<hbm>> -> memref<1x16x128xi32, #tpu.memory_space<hbm>>
      %dma_start3A_366 = tpu.memref_squeeze %dma_start3A_365 : memref<1x16x128xi32, #tpu.memory_space<hbm>> -> memref<16x128xi32, #tpu.memory_space<hbm>>
      tpu.enqueue_dma source(%dma_start3A_366 : memref<16x128xi32, #tpu.memory_space<hbm>>) target(%arg8 : memref<16x128xi32, #tpu.memory_space<vmem>>) target_semaphore(%run_scoped3A : memref<!tpu.dma_semaphore, #tpu.memory_space<semaphore_mem>>)
      %dma_wait3A_367 = arith.constant 0 : i32
      %dma_wait3A_368 = arith.constant 0 : i32
      %dma_wait3A_369 = tpu.memref_slice %arg3[%add3A, %dma_wait3A_367, %dma_wait3A_368] : memref<32x16x128xi32, #tpu.memory_space<hbm>> -> memref<1x16x128xi32, #tpu.memory_space<hbm>>
      %dma_wait3A_370 = tpu.memref_squeeze %dma_wait3A_369 : memref<1x16x128xi32, #tpu.memory_space<hbm>> -> memref<16x128xi32, #tpu.memory_space<hbm>>
      %dma_wait3A_371 = arith.constant 0 : i32
      %dma_wait3A_372 = arith.constant 0 : i32
      %dma_wait3A_373 = tpu.memref_slice %arg3[%add3A, %dma_wait3A_371, %dma_wait3A_372] : memref<32x16x128xi32, #tpu.memory_space<hbm>> -> memref<1x16x128xi32, #tpu.memory_space<hbm>>
      %dma_wait3A_374 = tpu.memref_squeeze %dma_wait3A_373 : memref<1x16x128xi32, #tpu.memory_space<hbm>> -> memref<16x128xi32, #tpu.memory_space<hbm>>
      tpu.wait_dma2 semaphore(%run_scoped3A : memref<!tpu.dma_semaphore, #tpu.memory_space<semaphore_mem>>) src(%dma_wait3A_374 : memref<16x128xi32, #tpu.memory_space<hbm>>) dst(%arg8 : memref<16x128xi32, #tpu.memory_space<vmem>>)
      tpu.yield
    }) : () -> ()
    "tpu.region"() ({
      %run_scoped3A = tpu.sem_alloc : memref<!tpu.dma_semaphore, #tpu.memory_space<semaphore_mem>>
      %dma_start3A_359 = arith.constant 0 : i32
      %dma_start3A_360 = arith.constant 0 : i32
      %dma_start3A_361 = tpu.memref_slice %arg5[%add3A, %dma_start3A_359, %dma_start3A_360] : memref<32x2x128xi32, #tpu.memory_space<hbm>> -> memref<1x2x128xi32, #tpu.memory_space<hbm>>
      %dma_start3A_362 = tpu.memref_squeeze %dma_start3A_361 : memref<1x2x128xi32, #tpu.memory_space<hbm>> -> memref<2x128xi32, #tpu.memory_space<hbm>>
      %dma_start3A_363 = arith.constant 0 : i32
      %dma_start3A_364 = arith.constant 0 : i32
      %dma_start3A_365 = tpu.memref_slice %arg5[%add3A, %dma_start3A_363, %dma_start3A_364] : memref<32x2x128xi32, #tpu.memory_space<hbm>> -> memref<1x2x128xi32, #tpu.memory_space<hbm>>
      %dma_start3A_366 = tpu.memref_squeeze %dma_start3A_365 : memref<1x2x128xi32, #tpu.memory_space<hbm>> -> memref<2x128xi32, #tpu.memory_space<hbm>>
      tpu.enqueue_dma source(%dma_start3A_366 : memref<2x128xi32, #tpu.memory_space<hbm>>) target(%arg10 : memref<2x128xi32, #tpu.memory_space<vmem>>) target_semaphore(%run_scoped3A : memref<!tpu.dma_semaphore, #tpu.memory_space<semaphore_mem>>)
      %dma_wait3A_367 = arith.constant 0 : i32
      %dma_wait3A_368 = arith.constant 0 : i32
      %dma_wait3A_369 = tpu.memref_slice %arg5[%add3A, %dma_wait3A_367, %dma_wait3A_368] : memref<32x2x128xi32, #tpu.memory_space<hbm>> -> memref<1x2x128xi32, #tpu.memory_space<hbm>>
      %dma_wait3A_370 = tpu.memref_squeeze %dma_wait3A_369 : memref<1x2x128xi32, #tpu.memory_space<hbm>> -> memref<2x128xi32, #tpu.memory_space<hbm>>
      %dma_wait3A_371 = arith.constant 0 : i32
      %dma_wait3A_372 = arith.constant 0 : i32
      %dma_wait3A_373 = tpu.memref_slice %arg5[%add3A, %dma_wait3A_371, %dma_wait3A_372] : memref<32x2x128xi32, #tpu.memory_space<hbm>> -> memref<1x2x128xi32, #tpu.memory_space<hbm>>
      %dma_wait3A_374 = tpu.memref_squeeze %dma_wait3A_373 : memref<1x2x128xi32, #tpu.memory_space<hbm>> -> memref<2x128xi32, #tpu.memory_space<hbm>>
      tpu.wait_dma2 semaphore(%run_scoped3A : memref<!tpu.dma_semaphore, #tpu.memory_space<semaphore_mem>>) src(%dma_wait3A_374 : memref<2x128xi32, #tpu.memory_space<hbm>>) dst(%arg10 : memref<2x128xi32, #tpu.memory_space<vmem>>)
      tpu.yield
    }) : () -> ()
    %dma_start3A = arith.constant 0 : i32
    %dma_start3A_1 = arith.constant 0 : i32
    %dma_start3A_2 = arith.constant 0 : i32
    %dma_start3A_3 = tpu.memref_slice %arg9[%dma_start3A_1, %dma_start3A_2] : memref<16x128xf32, #tpu.memory_space<vmem>> -> memref<1x128xf32, #tpu.memory_space<vmem>>
    %dma_start3A_4 = tpu.memref_squeeze %dma_start3A_3 : memref<1x128xf32, #tpu.memory_space<vmem>> -> memref<128xf32, #tpu.memory_space<vmem>>
    %dma_start3A_5 = arith.constant 0 : i32
    %dma_start3A_6 = tpu.memref_slice %arg8[%dma_start3A, %dma_start3A_5] : memref<16x128xi32, #tpu.memory_space<vmem>> -> memref<1x128xi32, #tpu.memory_space<vmem>>
    %dma_start3A_7 = tpu.memref_squeeze %dma_start3A_6 : memref<1x128xi32, #tpu.memory_space<vmem>> -> memref<128xi32, #tpu.memory_space<vmem>>
    %dma_start3A_8 = arith.constant 0 : i32
    %dma_start3A_9 = tpu.memref_slice %arg2[%dma_start3A_8] : memref<8000000xf32, #tpu.memory_space<hbm>> -> memref<8000000xf32, #tpu.memory_space<hbm>>
    tpu.enqueue_indirect_dma source(%dma_start3A_9 : memref<8000000xf32, #tpu.memory_space<hbm>>) target(%dma_start3A_4 : memref<128xf32, #tpu.memory_space<vmem>>) offsets(%dma_start3A_7 : memref<128xi32, #tpu.memory_space<vmem>>) semaphore(%arg12 : memref<!tpu.dma_semaphore, #tpu.memory_space<semaphore_mem>>)
    %dma_start3A_10 = arith.constant 1 : i32
    %dma_start3A_11 = arith.constant 1 : i32
    %dma_start3A_12 = arith.constant 0 : i32
    %dma_start3A_13 = tpu.memref_slice %arg9[%dma_start3A_11, %dma_start3A_12] : memref<16x128xf32, #tpu.memory_space<vmem>> -> memref<1x128xf32, #tpu.memory_space<vmem>>
    %dma_start3A_14 = tpu.memref_squeeze %dma_start3A_13 : memref<1x128xf32, #tpu.memory_space<vmem>> -> memref<128xf32, #tpu.memory_space<vmem>>
    %dma_start3A_15 = arith.constant 0 : i32
    %dma_start3A_16 = tpu.memref_slice %arg8[%dma_start3A_10, %dma_start3A_15] : memref<16x128xi32, #tpu.memory_space<vmem>> -> memref<1x128xi32, #tpu.memory_space<vmem>>
    %dma_start3A_17 = tpu.memref_squeeze %dma_start3A_16 : memref<1x128xi32, #tpu.memory_space<vmem>> -> memref<128xi32, #tpu.memory_space<vmem>>
    %dma_start3A_18 = arith.constant 0 : i32
    %dma_start3A_19 = tpu.memref_slice %arg2[%dma_start3A_18] : memref<8000000xf32, #tpu.memory_space<hbm>> -> memref<8000000xf32, #tpu.memory_space<hbm>>
    tpu.enqueue_indirect_dma source(%dma_start3A_19 : memref<8000000xf32, #tpu.memory_space<hbm>>) target(%dma_start3A_14 : memref<128xf32, #tpu.memory_space<vmem>>) offsets(%dma_start3A_17 : memref<128xi32, #tpu.memory_space<vmem>>) semaphore(%arg12 : memref<!tpu.dma_semaphore, #tpu.memory_space<semaphore_mem>>)
    %dma_start3A_20 = arith.constant 2 : i32
    %dma_start3A_21 = arith.constant 2 : i32
    %dma_start3A_22 = arith.constant 0 : i32
    %dma_start3A_23 = tpu.memref_slice %arg9[%dma_start3A_21, %dma_start3A_22] : memref<16x128xf32, #tpu.memory_space<vmem>> -> memref<1x128xf32, #tpu.memory_space<vmem>>
    %dma_start3A_24 = tpu.memref_squeeze %dma_start3A_23 : memref<1x128xf32, #tpu.memory_space<vmem>> -> memref<128xf32, #tpu.memory_space<vmem>>
    %dma_start3A_25 = arith.constant 0 : i32
    %dma_start3A_26 = tpu.memref_slice %arg8[%dma_start3A_20, %dma_start3A_25] : memref<16x128xi32, #tpu.memory_space<vmem>> -> memref<1x128xi32, #tpu.memory_space<vmem>>
    %dma_start3A_27 = tpu.memref_squeeze %dma_start3A_26 : memref<1x128xi32, #tpu.memory_space<vmem>> -> memref<128xi32, #tpu.memory_space<vmem>>
    %dma_start3A_28 = arith.constant 0 : i32
    %dma_start3A_29 = tpu.memref_slice %arg2[%dma_start3A_28] : memref<8000000xf32, #tpu.memory_space<hbm>> -> memref<8000000xf32, #tpu.memory_space<hbm>>
    tpu.enqueue_indirect_dma source(%dma_start3A_29 : memref<8000000xf32, #tpu.memory_space<hbm>>) target(%dma_start3A_24 : memref<128xf32, #tpu.memory_space<vmem>>) offsets(%dma_start3A_27 : memref<128xi32, #tpu.memory_space<vmem>>) semaphore(%arg12 : memref<!tpu.dma_semaphore, #tpu.memory_space<semaphore_mem>>)
    %dma_start3A_30 = arith.constant 3 : i32
    %dma_start3A_31 = arith.constant 3 : i32
    %dma_start3A_32 = arith.constant 0 : i32
    %dma_start3A_33 = tpu.memref_slice %arg9[%dma_start3A_31, %dma_start3A_32] : memref<16x128xf32, #tpu.memory_space<vmem>> -> memref<1x128xf32, #tpu.memory_space<vmem>>
    %dma_start3A_34 = tpu.memref_squeeze %dma_start3A_33 : memref<1x128xf32, #tpu.memory_space<vmem>> -> memref<128xf32, #tpu.memory_space<vmem>>
    %dma_start3A_35 = arith.constant 0 : i32
    %dma_start3A_36 = tpu.memref_slice %arg8[%dma_start3A_30, %dma_start3A_35] : memref<16x128xi32, #tpu.memory_space<vmem>> -> memref<1x128xi32, #tpu.memory_space<vmem>>
    %dma_start3A_37 = tpu.memref_squeeze %dma_start3A_36 : memref<1x128xi32, #tpu.memory_space<vmem>> -> memref<128xi32, #tpu.memory_space<vmem>>
    %dma_start3A_38 = arith.constant 0 : i32
    %dma_start3A_39 = tpu.memref_slice %arg2[%dma_start3A_38] : memref<8000000xf32, #tpu.memory_space<hbm>> -> memref<8000000xf32, #tpu.memory_space<hbm>>
    tpu.enqueue_indirect_dma source(%dma_start3A_39 : memref<8000000xf32, #tpu.memory_space<hbm>>) target(%dma_start3A_34 : memref<128xf32, #tpu.memory_space<vmem>>) offsets(%dma_start3A_37 : memref<128xi32, #tpu.memory_space<vmem>>) semaphore(%arg12 : memref<!tpu.dma_semaphore, #tpu.memory_space<semaphore_mem>>)
    %dma_start3A_40 = arith.constant 4 : i32
    %dma_start3A_41 = arith.constant 4 : i32
    %dma_start3A_42 = arith.constant 0 : i32
    %dma_start3A_43 = tpu.memref_slice %arg9[%dma_start3A_41, %dma_start3A_42] : memref<16x128xf32, #tpu.memory_space<vmem>> -> memref<1x128xf32, #tpu.memory_space<vmem>>
    %dma_start3A_44 = tpu.memref_squeeze %dma_start3A_43 : memref<1x128xf32, #tpu.memory_space<vmem>> -> memref<128xf32, #tpu.memory_space<vmem>>
    %dma_start3A_45 = arith.constant 0 : i32
    %dma_start3A_46 = tpu.memref_slice %arg8[%dma_start3A_40, %dma_start3A_45] : memref<16x128xi32, #tpu.memory_space<vmem>> -> memref<1x128xi32, #tpu.memory_space<vmem>>
    %dma_start3A_47 = tpu.memref_squeeze %dma_start3A_46 : memref<1x128xi32, #tpu.memory_space<vmem>> -> memref<128xi32, #tpu.memory_space<vmem>>
    %dma_start3A_48 = arith.constant 0 : i32
    %dma_start3A_49 = tpu.memref_slice %arg2[%dma_start3A_48] : memref<8000000xf32, #tpu.memory_space<hbm>> -> memref<8000000xf32, #tpu.memory_space<hbm>>
    tpu.enqueue_indirect_dma source(%dma_start3A_49 : memref<8000000xf32, #tpu.memory_space<hbm>>) target(%dma_start3A_44 : memref<128xf32, #tpu.memory_space<vmem>>) offsets(%dma_start3A_47 : memref<128xi32, #tpu.memory_space<vmem>>) semaphore(%arg12 : memref<!tpu.dma_semaphore, #tpu.memory_space<semaphore_mem>>)
    %dma_start3A_50 = arith.constant 5 : i32
    %dma_start3A_51 = arith.constant 5 : i32
    %dma_start3A_52 = arith.constant 0 : i32
    %dma_start3A_53 = tpu.memref_slice %arg9[%dma_start3A_51, %dma_start3A_52] : memref<16x128xf32, #tpu.memory_space<vmem>> -> memref<1x128xf32, #tpu.memory_space<vmem>>
    %dma_start3A_54 = tpu.memref_squeeze %dma_start3A_53 : memref<1x128xf32, #tpu.memory_space<vmem>> -> memref<128xf32, #tpu.memory_space<vmem>>
    %dma_start3A_55 = arith.constant 0 : i32
    %dma_start3A_56 = tpu.memref_slice %arg8[%dma_start3A_50, %dma_start3A_55] : memref<16x128xi32, #tpu.memory_space<vmem>> -> memref<1x128xi32, #tpu.memory_space<vmem>>
    %dma_start3A_57 = tpu.memref_squeeze %dma_start3A_56 : memref<1x128xi32, #tpu.memory_space<vmem>> -> memref<128xi32, #tpu.memory_space<vmem>>
    %dma_start3A_58 = arith.constant 0 : i32
    %dma_start3A_59 = tpu.memref_slice %arg2[%dma_start3A_58] : memref<8000000xf32, #tpu.memory_space<hbm>> -> memref<8000000xf32, #tpu.memory_space<hbm>>
    tpu.enqueue_indirect_dma source(%dma_start3A_59 : memref<8000000xf32, #tpu.memory_space<hbm>>) target(%dma_start3A_54 : memref<128xf32, #tpu.memory_space<vmem>>) offsets(%dma_start3A_57 : memref<128xi32, #tpu.memory_space<vmem>>) semaphore(%arg12 : memref<!tpu.dma_semaphore, #tpu.memory_space<semaphore_mem>>)
    %dma_start3A_60 = arith.constant 6 : i32
    %dma_start3A_61 = arith.constant 6 : i32
    %dma_start3A_62 = arith.constant 0 : i32
    %dma_start3A_63 = tpu.memref_slice %arg9[%dma_start3A_61, %dma_start3A_62] : memref<16x128xf32, #tpu.memory_space<vmem>> -> memref<1x128xf32, #tpu.memory_space<vmem>>
    %dma_start3A_64 = tpu.memref_squeeze %dma_start3A_63 : memref<1x128xf32, #tpu.memory_space<vmem>> -> memref<128xf32, #tpu.memory_space<vmem>>
    %dma_start3A_65 = arith.constant 0 : i32
    %dma_start3A_66 = tpu.memref_slice %arg8[%dma_start3A_60, %dma_start3A_65] : memref<16x128xi32, #tpu.memory_space<vmem>> -> memref<1x128xi32, #tpu.memory_space<vmem>>
    %dma_start3A_67 = tpu.memref_squeeze %dma_start3A_66 : memref<1x128xi32, #tpu.memory_space<vmem>> -> memref<128xi32, #tpu.memory_space<vmem>>
    %dma_start3A_68 = arith.constant 0 : i32
    %dma_start3A_69 = tpu.memref_slice %arg2[%dma_start3A_68] : memref<8000000xf32, #tpu.memory_space<hbm>> -> memref<8000000xf32, #tpu.memory_space<hbm>>
    tpu.enqueue_indirect_dma source(%dma_start3A_69 : memref<8000000xf32, #tpu.memory_space<hbm>>) target(%dma_start3A_64 : memref<128xf32, #tpu.memory_space<vmem>>) offsets(%dma_start3A_67 : memref<128xi32, #tpu.memory_space<vmem>>) semaphore(%arg12 : memref<!tpu.dma_semaphore, #tpu.memory_space<semaphore_mem>>)
    %dma_start3A_70 = arith.constant 7 : i32
    %dma_start3A_71 = arith.constant 7 : i32
    %dma_start3A_72 = arith.constant 0 : i32
    %dma_start3A_73 = tpu.memref_slice %arg9[%dma_start3A_71, %dma_start3A_72] : memref<16x128xf32, #tpu.memory_space<vmem>> -> memref<1x128xf32, #tpu.memory_space<vmem>>
    %dma_start3A_74 = tpu.memref_squeeze %dma_start3A_73 : memref<1x128xf32, #tpu.memory_space<vmem>> -> memref<128xf32, #tpu.memory_space<vmem>>
    %dma_start3A_75 = arith.constant 0 : i32
    %dma_start3A_76 = tpu.memref_slice %arg8[%dma_start3A_70, %dma_start3A_75] : memref<16x128xi32, #tpu.memory_space<vmem>> -> memref<1x128xi32, #tpu.memory_space<vmem>>
    %dma_start3A_77 = tpu.memref_squeeze %dma_start3A_76 : memref<1x128xi32, #tpu.memory_space<vmem>> -> memref<128xi32, #tpu.memory_space<vmem>>
    %dma_start3A_78 = arith.constant 0 : i32
    %dma_start3A_79 = tpu.memref_slice %arg2[%dma_start3A_78] : memref<8000000xf32, #tpu.memory_space<hbm>> -> memref<8000000xf32, #tpu.memory_space<hbm>>
    tpu.enqueue_indirect_dma source(%dma_start3A_79 : memref<8000000xf32, #tpu.memory_space<hbm>>) target(%dma_start3A_74 : memref<128xf32, #tpu.memory_space<vmem>>) offsets(%dma_start3A_77 : memref<128xi32, #tpu.memory_space<vmem>>) semaphore(%arg12 : memref<!tpu.dma_semaphore, #tpu.memory_space<semaphore_mem>>)
    %dma_start3A_80 = arith.constant 8 : i32
    %dma_start3A_81 = arith.constant 8 : i32
    %dma_start3A_82 = arith.constant 0 : i32
    %dma_start3A_83 = tpu.memref_slice %arg9[%dma_start3A_81, %dma_start3A_82] : memref<16x128xf32, #tpu.memory_space<vmem>> -> memref<1x128xf32, #tpu.memory_space<vmem>>
    %dma_start3A_84 = tpu.memref_squeeze %dma_start3A_83 : memref<1x128xf32, #tpu.memory_space<vmem>> -> memref<128xf32, #tpu.memory_space<vmem>>
    %dma_start3A_85 = arith.constant 0 : i32
    %dma_start3A_86 = tpu.memref_slice %arg8[%dma_start3A_80, %dma_start3A_85] : memref<16x128xi32, #tpu.memory_space<vmem>> -> memref<1x128xi32, #tpu.memory_space<vmem>>
    %dma_start3A_87 = tpu.memref_squeeze %dma_start3A_86 : memref<1x128xi32, #tpu.memory_space<vmem>> -> memref<128xi32, #tpu.memory_space<vmem>>
    %dma_start3A_88 = arith.constant 0 : i32
    %dma_start3A_89 = tpu.memref_slice %arg2[%dma_start3A_88] : memref<8000000xf32, #tpu.memory_space<hbm>> -> memref<8000000xf32, #tpu.memory_space<hbm>>
    tpu.enqueue_indirect_dma source(%dma_start3A_89 : memref<8000000xf32, #tpu.memory_space<hbm>>) target(%dma_start3A_84 : memref<128xf32, #tpu.memory_space<vmem>>) offsets(%dma_start3A_87 : memref<128xi32, #tpu.memory_space<vmem>>) semaphore(%arg12 : memref<!tpu.dma_semaphore, #tpu.memory_space<semaphore_mem>>)
    %dma_start3A_90 = arith.constant 9 : i32
    %dma_start3A_91 = arith.constant 9 : i32
    %dma_start3A_92 = arith.constant 0 : i32
    %dma_start3A_93 = tpu.memref_slice %arg9[%dma_start3A_91, %dma_start3A_92] : memref<16x128xf32, #tpu.memory_space<vmem>> -> memref<1x128xf32, #tpu.memory_space<vmem>>
    %dma_start3A_94 = tpu.memref_squeeze %dma_start3A_93 : memref<1x128xf32, #tpu.memory_space<vmem>> -> memref<128xf32, #tpu.memory_space<vmem>>
    %dma_start3A_95 = arith.constant 0 : i32
    %dma_start3A_96 = tpu.memref_slice %arg8[%dma_start3A_90, %dma_start3A_95] : memref<16x128xi32, #tpu.memory_space<vmem>> -> memref<1x128xi32, #tpu.memory_space<vmem>>
    %dma_start3A_97 = tpu.memref_squeeze %dma_start3A_96 : memref<1x128xi32, #tpu.memory_space<vmem>> -> memref<128xi32, #tpu.memory_space<vmem>>
    %dma_start3A_98 = arith.constant 0 : i32
    %dma_start3A_99 = tpu.memref_slice %arg2[%dma_start3A_98] : memref<8000000xf32, #tpu.memory_space<hbm>> -> memref<8000000xf32, #tpu.memory_space<hbm>>
    tpu.enqueue_indirect_dma source(%dma_start3A_99 : memref<8000000xf32, #tpu.memory_space<hbm>>) target(%dma_start3A_94 : memref<128xf32, #tpu.memory_space<vmem>>) offsets(%dma_start3A_97 : memref<128xi32, #tpu.memory_space<vmem>>) semaphore(%arg12 : memref<!tpu.dma_semaphore, #tpu.memory_space<semaphore_mem>>)
    %dma_start3A_100 = arith.constant 10 : i32
    %dma_start3A_101 = arith.constant 10 : i32
    %dma_start3A_102 = arith.constant 0 : i32
    %dma_start3A_103 = tpu.memref_slice %arg9[%dma_start3A_101, %dma_start3A_102] : memref<16x128xf32, #tpu.memory_space<vmem>> -> memref<1x128xf32, #tpu.memory_space<vmem>>
    %dma_start3A_104 = tpu.memref_squeeze %dma_start3A_103 : memref<1x128xf32, #tpu.memory_space<vmem>> -> memref<128xf32, #tpu.memory_space<vmem>>
    %dma_start3A_105 = arith.constant 0 : i32
    %dma_start3A_106 = tpu.memref_slice %arg8[%dma_start3A_100, %dma_start3A_105] : memref<16x128xi32, #tpu.memory_space<vmem>> -> memref<1x128xi32, #tpu.memory_space<vmem>>
    %dma_start3A_107 = tpu.memref_squeeze %dma_start3A_106 : memref<1x128xi32, #tpu.memory_space<vmem>> -> memref<128xi32, #tpu.memory_space<vmem>>
    %dma_start3A_108 = arith.constant 0 : i32
    %dma_start3A_109 = tpu.memref_slice %arg2[%dma_start3A_108] : memref<8000000xf32, #tpu.memory_space<hbm>> -> memref<8000000xf32, #tpu.memory_space<hbm>>
    tpu.enqueue_indirect_dma source(%dma_start3A_109 : memref<8000000xf32, #tpu.memory_space<hbm>>) target(%dma_start3A_104 : memref<128xf32, #tpu.memory_space<vmem>>) offsets(%dma_start3A_107 : memref<128xi32, #tpu.memory_space<vmem>>) semaphore(%arg12 : memref<!tpu.dma_semaphore, #tpu.memory_space<semaphore_mem>>)
    %dma_start3A_110 = arith.constant 11 : i32
    %dma_start3A_111 = arith.constant 11 : i32
    %dma_start3A_112 = arith.constant 0 : i32
    %dma_start3A_113 = tpu.memref_slice %arg9[%dma_start3A_111, %dma_start3A_112] : memref<16x128xf32, #tpu.memory_space<vmem>> -> memref<1x128xf32, #tpu.memory_space<vmem>>
    %dma_start3A_114 = tpu.memref_squeeze %dma_start3A_113 : memref<1x128xf32, #tpu.memory_space<vmem>> -> memref<128xf32, #tpu.memory_space<vmem>>
    %dma_start3A_115 = arith.constant 0 : i32
    %dma_start3A_116 = tpu.memref_slice %arg8[%dma_start3A_110, %dma_start3A_115] : memref<16x128xi32, #tpu.memory_space<vmem>> -> memref<1x128xi32, #tpu.memory_space<vmem>>
    %dma_start3A_117 = tpu.memref_squeeze %dma_start3A_116 : memref<1x128xi32, #tpu.memory_space<vmem>> -> memref<128xi32, #tpu.memory_space<vmem>>
    %dma_start3A_118 = arith.constant 0 : i32
    %dma_start3A_119 = tpu.memref_slice %arg2[%dma_start3A_118] : memref<8000000xf32, #tpu.memory_space<hbm>> -> memref<8000000xf32, #tpu.memory_space<hbm>>
    tpu.enqueue_indirect_dma source(%dma_start3A_119 : memref<8000000xf32, #tpu.memory_space<hbm>>) target(%dma_start3A_114 : memref<128xf32, #tpu.memory_space<vmem>>) offsets(%dma_start3A_117 : memref<128xi32, #tpu.memory_space<vmem>>) semaphore(%arg12 : memref<!tpu.dma_semaphore, #tpu.memory_space<semaphore_mem>>)
    %dma_start3A_120 = arith.constant 12 : i32
    %dma_start3A_121 = arith.constant 12 : i32
    %dma_start3A_122 = arith.constant 0 : i32
    %dma_start3A_123 = tpu.memref_slice %arg9[%dma_start3A_121, %dma_start3A_122] : memref<16x128xf32, #tpu.memory_space<vmem>> -> memref<1x128xf32, #tpu.memory_space<vmem>>
    %dma_start3A_124 = tpu.memref_squeeze %dma_start3A_123 : memref<1x128xf32, #tpu.memory_space<vmem>> -> memref<128xf32, #tpu.memory_space<vmem>>
    %dma_start3A_125 = arith.constant 0 : i32
    %dma_start3A_126 = tpu.memref_slice %arg8[%dma_start3A_120, %dma_start3A_125] : memref<16x128xi32, #tpu.memory_space<vmem>> -> memref<1x128xi32, #tpu.memory_space<vmem>>
    %dma_start3A_127 = tpu.memref_squeeze %dma_start3A_126 : memref<1x128xi32, #tpu.memory_space<vmem>> -> memref<128xi32, #tpu.memory_space<vmem>>
    %dma_start3A_128 = arith.constant 0 : i32
    %dma_start3A_129 = tpu.memref_slice %arg2[%dma_start3A_128] : memref<8000000xf32, #tpu.memory_space<hbm>> -> memref<8000000xf32, #tpu.memory_space<hbm>>
    tpu.enqueue_indirect_dma source(%dma_start3A_129 : memref<8000000xf32, #tpu.memory_space<hbm>>) target(%dma_start3A_124 : memref<128xf32, #tpu.memory_space<vmem>>) offsets(%dma_start3A_127 : memref<128xi32, #tpu.memory_space<vmem>>) semaphore(%arg12 : memref<!tpu.dma_semaphore, #tpu.memory_space<semaphore_mem>>)
    %dma_start3A_130 = arith.constant 13 : i32
    %dma_start3A_131 = arith.constant 13 : i32
    %dma_start3A_132 = arith.constant 0 : i32
    %dma_start3A_133 = tpu.memref_slice %arg9[%dma_start3A_131, %dma_start3A_132] : memref<16x128xf32, #tpu.memory_space<vmem>> -> memref<1x128xf32, #tpu.memory_space<vmem>>
    %dma_start3A_134 = tpu.memref_squeeze %dma_start3A_133 : memref<1x128xf32, #tpu.memory_space<vmem>> -> memref<128xf32, #tpu.memory_space<vmem>>
    %dma_start3A_135 = arith.constant 0 : i32
    %dma_start3A_136 = tpu.memref_slice %arg8[%dma_start3A_130, %dma_start3A_135] : memref<16x128xi32, #tpu.memory_space<vmem>> -> memref<1x128xi32, #tpu.memory_space<vmem>>
    %dma_start3A_137 = tpu.memref_squeeze %dma_start3A_136 : memref<1x128xi32, #tpu.memory_space<vmem>> -> memref<128xi32, #tpu.memory_space<vmem>>
    %dma_start3A_138 = arith.constant 0 : i32
    %dma_start3A_139 = tpu.memref_slice %arg2[%dma_start3A_138] : memref<8000000xf32, #tpu.memory_space<hbm>> -> memref<8000000xf32, #tpu.memory_space<hbm>>
    tpu.enqueue_indirect_dma source(%dma_start3A_139 : memref<8000000xf32, #tpu.memory_space<hbm>>) target(%dma_start3A_134 : memref<128xf32, #tpu.memory_space<vmem>>) offsets(%dma_start3A_137 : memref<128xi32, #tpu.memory_space<vmem>>) semaphore(%arg12 : memref<!tpu.dma_semaphore, #tpu.memory_space<semaphore_mem>>)
    %dma_start3A_140 = arith.constant 14 : i32
    %dma_start3A_141 = arith.constant 14 : i32
    %dma_start3A_142 = arith.constant 0 : i32
    %dma_start3A_143 = tpu.memref_slice %arg9[%dma_start3A_141, %dma_start3A_142] : memref<16x128xf32, #tpu.memory_space<vmem>> -> memref<1x128xf32, #tpu.memory_space<vmem>>
    %dma_start3A_144 = tpu.memref_squeeze %dma_start3A_143 : memref<1x128xf32, #tpu.memory_space<vmem>> -> memref<128xf32, #tpu.memory_space<vmem>>
    %dma_start3A_145 = arith.constant 0 : i32
    %dma_start3A_146 = tpu.memref_slice %arg8[%dma_start3A_140, %dma_start3A_145] : memref<16x128xi32, #tpu.memory_space<vmem>> -> memref<1x128xi32, #tpu.memory_space<vmem>>
    %dma_start3A_147 = tpu.memref_squeeze %dma_start3A_146 : memref<1x128xi32, #tpu.memory_space<vmem>> -> memref<128xi32, #tpu.memory_space<vmem>>
    %dma_start3A_148 = arith.constant 0 : i32
    %dma_start3A_149 = tpu.memref_slice %arg2[%dma_start3A_148] : memref<8000000xf32, #tpu.memory_space<hbm>> -> memref<8000000xf32, #tpu.memory_space<hbm>>
    tpu.enqueue_indirect_dma source(%dma_start3A_149 : memref<8000000xf32, #tpu.memory_space<hbm>>) target(%dma_start3A_144 : memref<128xf32, #tpu.memory_space<vmem>>) offsets(%dma_start3A_147 : memref<128xi32, #tpu.memory_space<vmem>>) semaphore(%arg12 : memref<!tpu.dma_semaphore, #tpu.memory_space<semaphore_mem>>)
    %dma_start3A_150 = arith.constant 15 : i32
    %dma_start3A_151 = arith.constant 15 : i32
    %dma_start3A_152 = arith.constant 0 : i32
    %dma_start3A_153 = tpu.memref_slice %arg9[%dma_start3A_151, %dma_start3A_152] : memref<16x128xf32, #tpu.memory_space<vmem>> -> memref<1x128xf32, #tpu.memory_space<vmem>>
    %dma_start3A_154 = tpu.memref_squeeze %dma_start3A_153 : memref<1x128xf32, #tpu.memory_space<vmem>> -> memref<128xf32, #tpu.memory_space<vmem>>
    %dma_start3A_155 = arith.constant 0 : i32
    %dma_start3A_156 = tpu.memref_slice %arg8[%dma_start3A_150, %dma_start3A_155] : memref<16x128xi32, #tpu.memory_space<vmem>> -> memref<1x128xi32, #tpu.memory_space<vmem>>
    %dma_start3A_157 = tpu.memref_squeeze %dma_start3A_156 : memref<1x128xi32, #tpu.memory_space<vmem>> -> memref<128xi32, #tpu.memory_space<vmem>>
    %dma_start3A_158 = arith.constant 0 : i32
    %dma_start3A_159 = tpu.memref_slice %arg2[%dma_start3A_158] : memref<8000000xf32, #tpu.memory_space<hbm>> -> memref<8000000xf32, #tpu.memory_space<hbm>>
    tpu.enqueue_indirect_dma source(%dma_start3A_159 : memref<8000000xf32, #tpu.memory_space<hbm>>) target(%dma_start3A_154 : memref<128xf32, #tpu.memory_space<vmem>>) offsets(%dma_start3A_157 : memref<128xi32, #tpu.memory_space<vmem>>) semaphore(%arg12 : memref<!tpu.dma_semaphore, #tpu.memory_space<semaphore_mem>>)
    %dma_start3A_160 = arith.constant 0 : i32
    %dma_start3A_161 = arith.constant 0 : i32
    %dma_start3A_162 = arith.constant 0 : i32
    %dma_start3A_163 = tpu.memref_slice %arg11[%dma_start3A_161, %dma_start3A_162] : memref<2x128xf32, #tpu.memory_space<vmem>> -> memref<1x128xf32, #tpu.memory_space<vmem>>
    %dma_start3A_164 = tpu.memref_squeeze %dma_start3A_163 : memref<1x128xf32, #tpu.memory_space<vmem>> -> memref<128xf32, #tpu.memory_space<vmem>>
    %dma_start3A_165 = arith.constant 0 : i32
    %dma_start3A_166 = tpu.memref_slice %arg10[%dma_start3A_160, %dma_start3A_165] : memref<2x128xi32, #tpu.memory_space<vmem>> -> memref<1x128xi32, #tpu.memory_space<vmem>>
    %dma_start3A_167 = tpu.memref_squeeze %dma_start3A_166 : memref<1x128xi32, #tpu.memory_space<vmem>> -> memref<128xi32, #tpu.memory_space<vmem>>
    %dma_start3A_168 = arith.constant 0 : i32
    %dma_start3A_169 = tpu.memref_slice %arg4[%dma_start3A_168] : memref<80000xf32, #tpu.memory_space<hbm>> -> memref<80000xf32, #tpu.memory_space<hbm>>
    tpu.enqueue_indirect_dma source(%dma_start3A_169 : memref<80000xf32, #tpu.memory_space<hbm>>) target(%dma_start3A_164 : memref<128xf32, #tpu.memory_space<vmem>>) offsets(%dma_start3A_167 : memref<128xi32, #tpu.memory_space<vmem>>) semaphore(%arg12 : memref<!tpu.dma_semaphore, #tpu.memory_space<semaphore_mem>>)
    %dma_start3A_170 = arith.constant 1 : i32
    %dma_start3A_171 = arith.constant 1 : i32
    %dma_start3A_172 = arith.constant 0 : i32
    %dma_start3A_173 = tpu.memref_slice %arg11[%dma_start3A_171, %dma_start3A_172] : memref<2x128xf32, #tpu.memory_space<vmem>> -> memref<1x128xf32, #tpu.memory_space<vmem>>
    %dma_start3A_174 = tpu.memref_squeeze %dma_start3A_173 : memref<1x128xf32, #tpu.memory_space<vmem>> -> memref<128xf32, #tpu.memory_space<vmem>>
    %dma_start3A_175 = arith.constant 0 : i32
    %dma_start3A_176 = tpu.memref_slice %arg10[%dma_start3A_170, %dma_start3A_175] : memref<2x128xi32, #tpu.memory_space<vmem>> -> memref<1x128xi32, #tpu.memory_space<vmem>>
    %dma_start3A_177 = tpu.memref_squeeze %dma_start3A_176 : memref<1x128xi32, #tpu.memory_space<vmem>> -> memref<128xi32, #tpu.memory_space<vmem>>
    %dma_start3A_178 = arith.constant 0 : i32
    %dma_start3A_179 = tpu.memref_slice %arg4[%dma_start3A_178] : memref<80000xf32, #tpu.memory_space<hbm>> -> memref<80000xf32, #tpu.memory_space<hbm>>
    tpu.enqueue_indirect_dma source(%dma_start3A_179 : memref<80000xf32, #tpu.memory_space<hbm>>) target(%dma_start3A_174 : memref<128xf32, #tpu.memory_space<vmem>>) offsets(%dma_start3A_177 : memref<128xi32, #tpu.memory_space<vmem>>) semaphore(%arg12 : memref<!tpu.dma_semaphore, #tpu.memory_space<semaphore_mem>>)
    %dma_wait3A = arith.constant 0 : i32
    %dma_wait3A_180 = arith.constant 0 : i32
    %dma_wait3A_181 = arith.constant 0 : i32
    %dma_wait3A_182 = tpu.memref_slice %arg9[%dma_wait3A_180, %dma_wait3A_181] : memref<16x128xf32, #tpu.memory_space<vmem>> -> memref<1x128xf32, #tpu.memory_space<vmem>>
    %dma_wait3A_183 = tpu.memref_squeeze %dma_wait3A_182 : memref<1x128xf32, #tpu.memory_space<vmem>> -> memref<128xf32, #tpu.memory_space<vmem>>
    %dma_wait3A_184 = arith.constant 0 : i32
    %dma_wait3A_185 = tpu.memref_slice %arg8[%dma_wait3A, %dma_wait3A_184] : memref<16x128xi32, #tpu.memory_space<vmem>> -> memref<1x128xi32, #tpu.memory_space<vmem>>
    %dma_wait3A_186 = tpu.memref_squeeze %dma_wait3A_185 : memref<1x128xi32, #tpu.memory_space<vmem>> -> memref<128xi32, #tpu.memory_space<vmem>>
    %dma_wait3A_187 = arith.constant 0 : i32
    %dma_wait3A_188 = tpu.memref_slice %arg2[%dma_wait3A_187] : memref<8000000xf32, #tpu.memory_space<hbm>> -> memref<8000000xf32, #tpu.memory_space<hbm>>
    tpu.wait_indirect_dma semaphore(%arg12 : memref<!tpu.dma_semaphore, #tpu.memory_space<semaphore_mem>>) src(%dma_wait3A_188 : memref<8000000xf32, #tpu.memory_space<hbm>>) dst(%dma_wait3A_183 : memref<128xf32, #tpu.memory_space<vmem>>)
    %dma_wait3A_189 = arith.constant 1 : i32
    %dma_wait3A_190 = arith.constant 1 : i32
    %dma_wait3A_191 = arith.constant 0 : i32
    %dma_wait3A_192 = tpu.memref_slice %arg9[%dma_wait3A_190, %dma_wait3A_191] : memref<16x128xf32, #tpu.memory_space<vmem>> -> memref<1x128xf32, #tpu.memory_space<vmem>>
    %dma_wait3A_193 = tpu.memref_squeeze %dma_wait3A_192 : memref<1x128xf32, #tpu.memory_space<vmem>> -> memref<128xf32, #tpu.memory_space<vmem>>
    %dma_wait3A_194 = arith.constant 0 : i32
    %dma_wait3A_195 = tpu.memref_slice %arg8[%dma_wait3A_189, %dma_wait3A_194] : memref<16x128xi32, #tpu.memory_space<vmem>> -> memref<1x128xi32, #tpu.memory_space<vmem>>
    %dma_wait3A_196 = tpu.memref_squeeze %dma_wait3A_195 : memref<1x128xi32, #tpu.memory_space<vmem>> -> memref<128xi32, #tpu.memory_space<vmem>>
    %dma_wait3A_197 = arith.constant 0 : i32
    %dma_wait3A_198 = tpu.memref_slice %arg2[%dma_wait3A_197] : memref<8000000xf32, #tpu.memory_space<hbm>> -> memref<8000000xf32, #tpu.memory_space<hbm>>
    tpu.wait_indirect_dma semaphore(%arg12 : memref<!tpu.dma_semaphore, #tpu.memory_space<semaphore_mem>>) src(%dma_wait3A_198 : memref<8000000xf32, #tpu.memory_space<hbm>>) dst(%dma_wait3A_193 : memref<128xf32, #tpu.memory_space<vmem>>)
    %dma_wait3A_199 = arith.constant 2 : i32
    %dma_wait3A_200 = arith.constant 2 : i32
    %dma_wait3A_201 = arith.constant 0 : i32
    %dma_wait3A_202 = tpu.memref_slice %arg9[%dma_wait3A_200, %dma_wait3A_201] : memref<16x128xf32, #tpu.memory_space<vmem>> -> memref<1x128xf32, #tpu.memory_space<vmem>>
    %dma_wait3A_203 = tpu.memref_squeeze %dma_wait3A_202 : memref<1x128xf32, #tpu.memory_space<vmem>> -> memref<128xf32, #tpu.memory_space<vmem>>
    %dma_wait3A_204 = arith.constant 0 : i32
    %dma_wait3A_205 = tpu.memref_slice %arg8[%dma_wait3A_199, %dma_wait3A_204] : memref<16x128xi32, #tpu.memory_space<vmem>> -> memref<1x128xi32, #tpu.memory_space<vmem>>
    %dma_wait3A_206 = tpu.memref_squeeze %dma_wait3A_205 : memref<1x128xi32, #tpu.memory_space<vmem>> -> memref<128xi32, #tpu.memory_space<vmem>>
    %dma_wait3A_207 = arith.constant 0 : i32
    %dma_wait3A_208 = tpu.memref_slice %arg2[%dma_wait3A_207] : memref<8000000xf32, #tpu.memory_space<hbm>> -> memref<8000000xf32, #tpu.memory_space<hbm>>
    tpu.wait_indirect_dma semaphore(%arg12 : memref<!tpu.dma_semaphore, #tpu.memory_space<semaphore_mem>>) src(%dma_wait3A_208 : memref<8000000xf32, #tpu.memory_space<hbm>>) dst(%dma_wait3A_203 : memref<128xf32, #tpu.memory_space<vmem>>)
    %dma_wait3A_209 = arith.constant 3 : i32
    %dma_wait3A_210 = arith.constant 3 : i32
    %dma_wait3A_211 = arith.constant 0 : i32
    %dma_wait3A_212 = tpu.memref_slice %arg9[%dma_wait3A_210, %dma_wait3A_211] : memref<16x128xf32, #tpu.memory_space<vmem>> -> memref<1x128xf32, #tpu.memory_space<vmem>>
    %dma_wait3A_213 = tpu.memref_squeeze %dma_wait3A_212 : memref<1x128xf32, #tpu.memory_space<vmem>> -> memref<128xf32, #tpu.memory_space<vmem>>
    %dma_wait3A_214 = arith.constant 0 : i32
    %dma_wait3A_215 = tpu.memref_slice %arg8[%dma_wait3A_209, %dma_wait3A_214] : memref<16x128xi32, #tpu.memory_space<vmem>> -> memref<1x128xi32, #tpu.memory_space<vmem>>
    %dma_wait3A_216 = tpu.memref_squeeze %dma_wait3A_215 : memref<1x128xi32, #tpu.memory_space<vmem>> -> memref<128xi32, #tpu.memory_space<vmem>>
    %dma_wait3A_217 = arith.constant 0 : i32
    %dma_wait3A_218 = tpu.memref_slice %arg2[%dma_wait3A_217] : memref<8000000xf32, #tpu.memory_space<hbm>> -> memref<8000000xf32, #tpu.memory_space<hbm>>
    tpu.wait_indirect_dma semaphore(%arg12 : memref<!tpu.dma_semaphore, #tpu.memory_space<semaphore_mem>>) src(%dma_wait3A_218 : memref<8000000xf32, #tpu.memory_space<hbm>>) dst(%dma_wait3A_213 : memref<128xf32, #tpu.memory_space<vmem>>)
    %dma_wait3A_219 = arith.constant 4 : i32
    %dma_wait3A_220 = arith.constant 4 : i32
    %dma_wait3A_221 = arith.constant 0 : i32
    %dma_wait3A_222 = tpu.memref_slice %arg9[%dma_wait3A_220, %dma_wait3A_221] : memref<16x128xf32, #tpu.memory_space<vmem>> -> memref<1x128xf32, #tpu.memory_space<vmem>>
    %dma_wait3A_223 = tpu.memref_squeeze %dma_wait3A_222 : memref<1x128xf32, #tpu.memory_space<vmem>> -> memref<128xf32, #tpu.memory_space<vmem>>
    %dma_wait3A_224 = arith.constant 0 : i32
    %dma_wait3A_225 = tpu.memref_slice %arg8[%dma_wait3A_219, %dma_wait3A_224] : memref<16x128xi32, #tpu.memory_space<vmem>> -> memref<1x128xi32, #tpu.memory_space<vmem>>
    %dma_wait3A_226 = tpu.memref_squeeze %dma_wait3A_225 : memref<1x128xi32, #tpu.memory_space<vmem>> -> memref<128xi32, #tpu.memory_space<vmem>>
    %dma_wait3A_227 = arith.constant 0 : i32
    %dma_wait3A_228 = tpu.memref_slice %arg2[%dma_wait3A_227] : memref<8000000xf32, #tpu.memory_space<hbm>> -> memref<8000000xf32, #tpu.memory_space<hbm>>
    tpu.wait_indirect_dma semaphore(%arg12 : memref<!tpu.dma_semaphore, #tpu.memory_space<semaphore_mem>>) src(%dma_wait3A_228 : memref<8000000xf32, #tpu.memory_space<hbm>>) dst(%dma_wait3A_223 : memref<128xf32, #tpu.memory_space<vmem>>)
    %dma_wait3A_229 = arith.constant 5 : i32
    %dma_wait3A_230 = arith.constant 5 : i32
    %dma_wait3A_231 = arith.constant 0 : i32
    %dma_wait3A_232 = tpu.memref_slice %arg9[%dma_wait3A_230, %dma_wait3A_231] : memref<16x128xf32, #tpu.memory_space<vmem>> -> memref<1x128xf32, #tpu.memory_space<vmem>>
    %dma_wait3A_233 = tpu.memref_squeeze %dma_wait3A_232 : memref<1x128xf32, #tpu.memory_space<vmem>> -> memref<128xf32, #tpu.memory_space<vmem>>
    %dma_wait3A_234 = arith.constant 0 : i32
    %dma_wait3A_235 = tpu.memref_slice %arg8[%dma_wait3A_229, %dma_wait3A_234] : memref<16x128xi32, #tpu.memory_space<vmem>> -> memref<1x128xi32, #tpu.memory_space<vmem>>
    %dma_wait3A_236 = tpu.memref_squeeze %dma_wait3A_235 : memref<1x128xi32, #tpu.memory_space<vmem>> -> memref<128xi32, #tpu.memory_space<vmem>>
    %dma_wait3A_237 = arith.constant 0 : i32
    %dma_wait3A_238 = tpu.memref_slice %arg2[%dma_wait3A_237] : memref<8000000xf32, #tpu.memory_space<hbm>> -> memref<8000000xf32, #tpu.memory_space<hbm>>
    tpu.wait_indirect_dma semaphore(%arg12 : memref<!tpu.dma_semaphore, #tpu.memory_space<semaphore_mem>>) src(%dma_wait3A_238 : memref<8000000xf32, #tpu.memory_space<hbm>>) dst(%dma_wait3A_233 : memref<128xf32, #tpu.memory_space<vmem>>)
    %dma_wait3A_239 = arith.constant 6 : i32
    %dma_wait3A_240 = arith.constant 6 : i32
    %dma_wait3A_241 = arith.constant 0 : i32
    %dma_wait3A_242 = tpu.memref_slice %arg9[%dma_wait3A_240, %dma_wait3A_241] : memref<16x128xf32, #tpu.memory_space<vmem>> -> memref<1x128xf32, #tpu.memory_space<vmem>>
    %dma_wait3A_243 = tpu.memref_squeeze %dma_wait3A_242 : memref<1x128xf32, #tpu.memory_space<vmem>> -> memref<128xf32, #tpu.memory_space<vmem>>
    %dma_wait3A_244 = arith.constant 0 : i32
    %dma_wait3A_245 = tpu.memref_slice %arg8[%dma_wait3A_239, %dma_wait3A_244] : memref<16x128xi32, #tpu.memory_space<vmem>> -> memref<1x128xi32, #tpu.memory_space<vmem>>
    %dma_wait3A_246 = tpu.memref_squeeze %dma_wait3A_245 : memref<1x128xi32, #tpu.memory_space<vmem>> -> memref<128xi32, #tpu.memory_space<vmem>>
    %dma_wait3A_247 = arith.constant 0 : i32
    %dma_wait3A_248 = tpu.memref_slice %arg2[%dma_wait3A_247] : memref<8000000xf32, #tpu.memory_space<hbm>> -> memref<8000000xf32, #tpu.memory_space<hbm>>
    tpu.wait_indirect_dma semaphore(%arg12 : memref<!tpu.dma_semaphore, #tpu.memory_space<semaphore_mem>>) src(%dma_wait3A_248 : memref<8000000xf32, #tpu.memory_space<hbm>>) dst(%dma_wait3A_243 : memref<128xf32, #tpu.memory_space<vmem>>)
    %dma_wait3A_249 = arith.constant 7 : i32
    %dma_wait3A_250 = arith.constant 7 : i32
    %dma_wait3A_251 = arith.constant 0 : i32
    %dma_wait3A_252 = tpu.memref_slice %arg9[%dma_wait3A_250, %dma_wait3A_251] : memref<16x128xf32, #tpu.memory_space<vmem>> -> memref<1x128xf32, #tpu.memory_space<vmem>>
    %dma_wait3A_253 = tpu.memref_squeeze %dma_wait3A_252 : memref<1x128xf32, #tpu.memory_space<vmem>> -> memref<128xf32, #tpu.memory_space<vmem>>
    %dma_wait3A_254 = arith.constant 0 : i32
    %dma_wait3A_255 = tpu.memref_slice %arg8[%dma_wait3A_249, %dma_wait3A_254] : memref<16x128xi32, #tpu.memory_space<vmem>> -> memref<1x128xi32, #tpu.memory_space<vmem>>
    %dma_wait3A_256 = tpu.memref_squeeze %dma_wait3A_255 : memref<1x128xi32, #tpu.memory_space<vmem>> -> memref<128xi32, #tpu.memory_space<vmem>>
    %dma_wait3A_257 = arith.constant 0 : i32
    %dma_wait3A_258 = tpu.memref_slice %arg2[%dma_wait3A_257] : memref<8000000xf32, #tpu.memory_space<hbm>> -> memref<8000000xf32, #tpu.memory_space<hbm>>
    tpu.wait_indirect_dma semaphore(%arg12 : memref<!tpu.dma_semaphore, #tpu.memory_space<semaphore_mem>>) src(%dma_wait3A_258 : memref<8000000xf32, #tpu.memory_space<hbm>>) dst(%dma_wait3A_253 : memref<128xf32, #tpu.memory_space<vmem>>)
    %dma_wait3A_259 = arith.constant 8 : i32
    %dma_wait3A_260 = arith.constant 8 : i32
    %dma_wait3A_261 = arith.constant 0 : i32
    %dma_wait3A_262 = tpu.memref_slice %arg9[%dma_wait3A_260, %dma_wait3A_261] : memref<16x128xf32, #tpu.memory_space<vmem>> -> memref<1x128xf32, #tpu.memory_space<vmem>>
    %dma_wait3A_263 = tpu.memref_squeeze %dma_wait3A_262 : memref<1x128xf32, #tpu.memory_space<vmem>> -> memref<128xf32, #tpu.memory_space<vmem>>
    %dma_wait3A_264 = arith.constant 0 : i32
    %dma_wait3A_265 = tpu.memref_slice %arg8[%dma_wait3A_259, %dma_wait3A_264] : memref<16x128xi32, #tpu.memory_space<vmem>> -> memref<1x128xi32, #tpu.memory_space<vmem>>
    %dma_wait3A_266 = tpu.memref_squeeze %dma_wait3A_265 : memref<1x128xi32, #tpu.memory_space<vmem>> -> memref<128xi32, #tpu.memory_space<vmem>>
    %dma_wait3A_267 = arith.constant 0 : i32
    %dma_wait3A_268 = tpu.memref_slice %arg2[%dma_wait3A_267] : memref<8000000xf32, #tpu.memory_space<hbm>> -> memref<8000000xf32, #tpu.memory_space<hbm>>
    tpu.wait_indirect_dma semaphore(%arg12 : memref<!tpu.dma_semaphore, #tpu.memory_space<semaphore_mem>>) src(%dma_wait3A_268 : memref<8000000xf32, #tpu.memory_space<hbm>>) dst(%dma_wait3A_263 : memref<128xf32, #tpu.memory_space<vmem>>)
    %dma_wait3A_269 = arith.constant 9 : i32
    %dma_wait3A_270 = arith.constant 9 : i32
    %dma_wait3A_271 = arith.constant 0 : i32
    %dma_wait3A_272 = tpu.memref_slice %arg9[%dma_wait3A_270, %dma_wait3A_271] : memref<16x128xf32, #tpu.memory_space<vmem>> -> memref<1x128xf32, #tpu.memory_space<vmem>>
    %dma_wait3A_273 = tpu.memref_squeeze %dma_wait3A_272 : memref<1x128xf32, #tpu.memory_space<vmem>> -> memref<128xf32, #tpu.memory_space<vmem>>
    %dma_wait3A_274 = arith.constant 0 : i32
    %dma_wait3A_275 = tpu.memref_slice %arg8[%dma_wait3A_269, %dma_wait3A_274] : memref<16x128xi32, #tpu.memory_space<vmem>> -> memref<1x128xi32, #tpu.memory_space<vmem>>
    %dma_wait3A_276 = tpu.memref_squeeze %dma_wait3A_275 : memref<1x128xi32, #tpu.memory_space<vmem>> -> memref<128xi32, #tpu.memory_space<vmem>>
    %dma_wait3A_277 = arith.constant 0 : i32
    %dma_wait3A_278 = tpu.memref_slice %arg2[%dma_wait3A_277] : memref<8000000xf32, #tpu.memory_space<hbm>> -> memref<8000000xf32, #tpu.memory_space<hbm>>
    tpu.wait_indirect_dma semaphore(%arg12 : memref<!tpu.dma_semaphore, #tpu.memory_space<semaphore_mem>>) src(%dma_wait3A_278 : memref<8000000xf32, #tpu.memory_space<hbm>>) dst(%dma_wait3A_273 : memref<128xf32, #tpu.memory_space<vmem>>)
    %dma_wait3A_279 = arith.constant 10 : i32
    %dma_wait3A_280 = arith.constant 10 : i32
    %dma_wait3A_281 = arith.constant 0 : i32
    %dma_wait3A_282 = tpu.memref_slice %arg9[%dma_wait3A_280, %dma_wait3A_281] : memref<16x128xf32, #tpu.memory_space<vmem>> -> memref<1x128xf32, #tpu.memory_space<vmem>>
    %dma_wait3A_283 = tpu.memref_squeeze %dma_wait3A_282 : memref<1x128xf32, #tpu.memory_space<vmem>> -> memref<128xf32, #tpu.memory_space<vmem>>
    %dma_wait3A_284 = arith.constant 0 : i32
    %dma_wait3A_285 = tpu.memref_slice %arg8[%dma_wait3A_279, %dma_wait3A_284] : memref<16x128xi32, #tpu.memory_space<vmem>> -> memref<1x128xi32, #tpu.memory_space<vmem>>
    %dma_wait3A_286 = tpu.memref_squeeze %dma_wait3A_285 : memref<1x128xi32, #tpu.memory_space<vmem>> -> memref<128xi32, #tpu.memory_space<vmem>>
    %dma_wait3A_287 = arith.constant 0 : i32
    %dma_wait3A_288 = tpu.memref_slice %arg2[%dma_wait3A_287] : memref<8000000xf32, #tpu.memory_space<hbm>> -> memref<8000000xf32, #tpu.memory_space<hbm>>
    tpu.wait_indirect_dma semaphore(%arg12 : memref<!tpu.dma_semaphore, #tpu.memory_space<semaphore_mem>>) src(%dma_wait3A_288 : memref<8000000xf32, #tpu.memory_space<hbm>>) dst(%dma_wait3A_283 : memref<128xf32, #tpu.memory_space<vmem>>)
    %dma_wait3A_289 = arith.constant 11 : i32
    %dma_wait3A_290 = arith.constant 11 : i32
    %dma_wait3A_291 = arith.constant 0 : i32
    %dma_wait3A_292 = tpu.memref_slice %arg9[%dma_wait3A_290, %dma_wait3A_291] : memref<16x128xf32, #tpu.memory_space<vmem>> -> memref<1x128xf32, #tpu.memory_space<vmem>>
    %dma_wait3A_293 = tpu.memref_squeeze %dma_wait3A_292 : memref<1x128xf32, #tpu.memory_space<vmem>> -> memref<128xf32, #tpu.memory_space<vmem>>
    %dma_wait3A_294 = arith.constant 0 : i32
    %dma_wait3A_295 = tpu.memref_slice %arg8[%dma_wait3A_289, %dma_wait3A_294] : memref<16x128xi32, #tpu.memory_space<vmem>> -> memref<1x128xi32, #tpu.memory_space<vmem>>
    %dma_wait3A_296 = tpu.memref_squeeze %dma_wait3A_295 : memref<1x128xi32, #tpu.memory_space<vmem>> -> memref<128xi32, #tpu.memory_space<vmem>>
    %dma_wait3A_297 = arith.constant 0 : i32
    %dma_wait3A_298 = tpu.memref_slice %arg2[%dma_wait3A_297] : memref<8000000xf32, #tpu.memory_space<hbm>> -> memref<8000000xf32, #tpu.memory_space<hbm>>
    tpu.wait_indirect_dma semaphore(%arg12 : memref<!tpu.dma_semaphore, #tpu.memory_space<semaphore_mem>>) src(%dma_wait3A_298 : memref<8000000xf32, #tpu.memory_space<hbm>>) dst(%dma_wait3A_293 : memref<128xf32, #tpu.memory_space<vmem>>)
    %dma_wait3A_299 = arith.constant 12 : i32
    %dma_wait3A_300 = arith.constant 12 : i32
    %dma_wait3A_301 = arith.constant 0 : i32
    %dma_wait3A_302 = tpu.memref_slice %arg9[%dma_wait3A_300, %dma_wait3A_301] : memref<16x128xf32, #tpu.memory_space<vmem>> -> memref<1x128xf32, #tpu.memory_space<vmem>>
    %dma_wait3A_303 = tpu.memref_squeeze %dma_wait3A_302 : memref<1x128xf32, #tpu.memory_space<vmem>> -> memref<128xf32, #tpu.memory_space<vmem>>
    %dma_wait3A_304 = arith.constant 0 : i32
    %dma_wait3A_305 = tpu.memref_slice %arg8[%dma_wait3A_299, %dma_wait3A_304] : memref<16x128xi32, #tpu.memory_space<vmem>> -> memref<1x128xi32, #tpu.memory_space<vmem>>
    %dma_wait3A_306 = tpu.memref_squeeze %dma_wait3A_305 : memref<1x128xi32, #tpu.memory_space<vmem>> -> memref<128xi32, #tpu.memory_space<vmem>>
    %dma_wait3A_307 = arith.constant 0 : i32
    %dma_wait3A_308 = tpu.memref_slice %arg2[%dma_wait3A_307] : memref<8000000xf32, #tpu.memory_space<hbm>> -> memref<8000000xf32, #tpu.memory_space<hbm>>
    tpu.wait_indirect_dma semaphore(%arg12 : memref<!tpu.dma_semaphore, #tpu.memory_space<semaphore_mem>>) src(%dma_wait3A_308 : memref<8000000xf32, #tpu.memory_space<hbm>>) dst(%dma_wait3A_303 : memref<128xf32, #tpu.memory_space<vmem>>)
    %dma_wait3A_309 = arith.constant 13 : i32
    %dma_wait3A_310 = arith.constant 13 : i32
    %dma_wait3A_311 = arith.constant 0 : i32
    %dma_wait3A_312 = tpu.memref_slice %arg9[%dma_wait3A_310, %dma_wait3A_311] : memref<16x128xf32, #tpu.memory_space<vmem>> -> memref<1x128xf32, #tpu.memory_space<vmem>>
    %dma_wait3A_313 = tpu.memref_squeeze %dma_wait3A_312 : memref<1x128xf32, #tpu.memory_space<vmem>> -> memref<128xf32, #tpu.memory_space<vmem>>
    %dma_wait3A_314 = arith.constant 0 : i32
    %dma_wait3A_315 = tpu.memref_slice %arg8[%dma_wait3A_309, %dma_wait3A_314] : memref<16x128xi32, #tpu.memory_space<vmem>> -> memref<1x128xi32, #tpu.memory_space<vmem>>
    %dma_wait3A_316 = tpu.memref_squeeze %dma_wait3A_315 : memref<1x128xi32, #tpu.memory_space<vmem>> -> memref<128xi32, #tpu.memory_space<vmem>>
    %dma_wait3A_317 = arith.constant 0 : i32
    %dma_wait3A_318 = tpu.memref_slice %arg2[%dma_wait3A_317] : memref<8000000xf32, #tpu.memory_space<hbm>> -> memref<8000000xf32, #tpu.memory_space<hbm>>
    tpu.wait_indirect_dma semaphore(%arg12 : memref<!tpu.dma_semaphore, #tpu.memory_space<semaphore_mem>>) src(%dma_wait3A_318 : memref<8000000xf32, #tpu.memory_space<hbm>>) dst(%dma_wait3A_313 : memref<128xf32, #tpu.memory_space<vmem>>)
    %dma_wait3A_319 = arith.constant 14 : i32
    %dma_wait3A_320 = arith.constant 14 : i32
    %dma_wait3A_321 = arith.constant 0 : i32
    %dma_wait3A_322 = tpu.memref_slice %arg9[%dma_wait3A_320, %dma_wait3A_321] : memref<16x128xf32, #tpu.memory_space<vmem>> -> memref<1x128xf32, #tpu.memory_space<vmem>>
    %dma_wait3A_323 = tpu.memref_squeeze %dma_wait3A_322 : memref<1x128xf32, #tpu.memory_space<vmem>> -> memref<128xf32, #tpu.memory_space<vmem>>
    %dma_wait3A_324 = arith.constant 0 : i32
    %dma_wait3A_325 = tpu.memref_slice %arg8[%dma_wait3A_319, %dma_wait3A_324] : memref<16x128xi32, #tpu.memory_space<vmem>> -> memref<1x128xi32, #tpu.memory_space<vmem>>
    %dma_wait3A_326 = tpu.memref_squeeze %dma_wait3A_325 : memref<1x128xi32, #tpu.memory_space<vmem>> -> memref<128xi32, #tpu.memory_space<vmem>>
    %dma_wait3A_327 = arith.constant 0 : i32
    %dma_wait3A_328 = tpu.memref_slice %arg2[%dma_wait3A_327] : memref<8000000xf32, #tpu.memory_space<hbm>> -> memref<8000000xf32, #tpu.memory_space<hbm>>
    tpu.wait_indirect_dma semaphore(%arg12 : memref<!tpu.dma_semaphore, #tpu.memory_space<semaphore_mem>>) src(%dma_wait3A_328 : memref<8000000xf32, #tpu.memory_space<hbm>>) dst(%dma_wait3A_323 : memref<128xf32, #tpu.memory_space<vmem>>)
    %dma_wait3A_329 = arith.constant 15 : i32
    %dma_wait3A_330 = arith.constant 15 : i32
    %dma_wait3A_331 = arith.constant 0 : i32
    %dma_wait3A_332 = tpu.memref_slice %arg9[%dma_wait3A_330, %dma_wait3A_331] : memref<16x128xf32, #tpu.memory_space<vmem>> -> memref<1x128xf32, #tpu.memory_space<vmem>>
    %dma_wait3A_333 = tpu.memref_squeeze %dma_wait3A_332 : memref<1x128xf32, #tpu.memory_space<vmem>> -> memref<128xf32, #tpu.memory_space<vmem>>
    %dma_wait3A_334 = arith.constant 0 : i32
    %dma_wait3A_335 = tpu.memref_slice %arg8[%dma_wait3A_329, %dma_wait3A_334] : memref<16x128xi32, #tpu.memory_space<vmem>> -> memref<1x128xi32, #tpu.memory_space<vmem>>
    %dma_wait3A_336 = tpu.memref_squeeze %dma_wait3A_335 : memref<1x128xi32, #tpu.memory_space<vmem>> -> memref<128xi32, #tpu.memory_space<vmem>>
    %dma_wait3A_337 = arith.constant 0 : i32
    %dma_wait3A_338 = tpu.memref_slice %arg2[%dma_wait3A_337] : memref<8000000xf32, #tpu.memory_space<hbm>> -> memref<8000000xf32, #tpu.memory_space<hbm>>
    tpu.wait_indirect_dma semaphore(%arg12 : memref<!tpu.dma_semaphore, #tpu.memory_space<semaphore_mem>>) src(%dma_wait3A_338 : memref<8000000xf32, #tpu.memory_space<hbm>>) dst(%dma_wait3A_333 : memref<128xf32, #tpu.memory_space<vmem>>)
    %dma_wait3A_339 = arith.constant 0 : i32
    %dma_wait3A_340 = arith.constant 0 : i32
    %dma_wait3A_341 = arith.constant 0 : i32
    %dma_wait3A_342 = tpu.memref_slice %arg11[%dma_wait3A_340, %dma_wait3A_341] : memref<2x128xf32, #tpu.memory_space<vmem>> -> memref<1x128xf32, #tpu.memory_space<vmem>>
    %dma_wait3A_343 = tpu.memref_squeeze %dma_wait3A_342 : memref<1x128xf32, #tpu.memory_space<vmem>> -> memref<128xf32, #tpu.memory_space<vmem>>
    %dma_wait3A_344 = arith.constant 0 : i32
    %dma_wait3A_345 = tpu.memref_slice %arg10[%dma_wait3A_339, %dma_wait3A_344] : memref<2x128xi32, #tpu.memory_space<vmem>> -> memref<1x128xi32, #tpu.memory_space<vmem>>
    %dma_wait3A_346 = tpu.memref_squeeze %dma_wait3A_345 : memref<1x128xi32, #tpu.memory_space<vmem>> -> memref<128xi32, #tpu.memory_space<vmem>>
    %dma_wait3A_347 = arith.constant 0 : i32
    %dma_wait3A_348 = tpu.memref_slice %arg4[%dma_wait3A_347] : memref<80000xf32, #tpu.memory_space<hbm>> -> memref<80000xf32, #tpu.memory_space<hbm>>
    tpu.wait_indirect_dma semaphore(%arg12 : memref<!tpu.dma_semaphore, #tpu.memory_space<semaphore_mem>>) src(%dma_wait3A_348 : memref<80000xf32, #tpu.memory_space<hbm>>) dst(%dma_wait3A_343 : memref<128xf32, #tpu.memory_space<vmem>>)
    %dma_wait3A_349 = arith.constant 1 : i32
    %dma_wait3A_350 = arith.constant 1 : i32
    %dma_wait3A_351 = arith.constant 0 : i32
    %dma_wait3A_352 = tpu.memref_slice %arg11[%dma_wait3A_350, %dma_wait3A_351] : memref<2x128xf32, #tpu.memory_space<vmem>> -> memref<1x128xf32, #tpu.memory_space<vmem>>
    %dma_wait3A_353 = tpu.memref_squeeze %dma_wait3A_352 : memref<1x128xf32, #tpu.memory_space<vmem>> -> memref<128xf32, #tpu.memory_space<vmem>>
    %dma_wait3A_354 = arith.constant 0 : i32
    %dma_wait3A_355 = tpu.memref_slice %arg10[%dma_wait3A_349, %dma_wait3A_354] : memref<2x128xi32, #tpu.memory_space<vmem>> -> memref<1x128xi32, #tpu.memory_space<vmem>>
    %dma_wait3A_356 = tpu.memref_squeeze %dma_wait3A_355 : memref<1x128xi32, #tpu.memory_space<vmem>> -> memref<128xi32, #tpu.memory_space<vmem>>
    %dma_wait3A_357 = arith.constant 0 : i32
    %dma_wait3A_358 = tpu.memref_slice %arg4[%dma_wait3A_357] : memref<80000xf32, #tpu.memory_space<hbm>> -> memref<80000xf32, #tpu.memory_space<hbm>>
    tpu.wait_indirect_dma semaphore(%arg12 : memref<!tpu.dma_semaphore, #tpu.memory_space<semaphore_mem>>) src(%dma_wait3A_358 : memref<80000xf32, #tpu.memory_space<hbm>>) dst(%dma_wait3A_353 : memref<128xf32, #tpu.memory_space<vmem>>)
    "tpu.region"() ({
      %run_scoped3A = tpu.sem_alloc : memref<!tpu.dma_semaphore, #tpu.memory_space<semaphore_mem>>
      %dma_start3A_359 = arith.constant 0 : i32
      %dma_start3A_360 = arith.constant 0 : i32
      %dma_start3A_361 = tpu.memref_slice %arg6[%add3A, %dma_start3A_359, %dma_start3A_360] : memref<32x16x128xf32, #tpu.memory_space<hbm>> -> memref<1x16x128xf32, #tpu.memory_space<hbm>>
      %dma_start3A_362 = tpu.memref_squeeze %dma_start3A_361 : memref<1x16x128xf32, #tpu.memory_space<hbm>> -> memref<16x128xf32, #tpu.memory_space<hbm>>
      %dma_start3A_363 = arith.constant 0 : i32
      %dma_start3A_364 = arith.constant 0 : i32
      %dma_start3A_365 = tpu.memref_slice %arg6[%add3A, %dma_start3A_363, %dma_start3A_364] : memref<32x16x128xf32, #tpu.memory_space<hbm>> -> memref<1x16x128xf32, #tpu.memory_space<hbm>>
      %dma_start3A_366 = tpu.memref_squeeze %dma_start3A_365 : memref<1x16x128xf32, #tpu.memory_space<hbm>> -> memref<16x128xf32, #tpu.memory_space<hbm>>
      tpu.enqueue_dma source(%arg9 : memref<16x128xf32, #tpu.memory_space<vmem>>) target(%dma_start3A_366 : memref<16x128xf32, #tpu.memory_space<hbm>>) target_semaphore(%run_scoped3A : memref<!tpu.dma_semaphore, #tpu.memory_space<semaphore_mem>>)
      %dma_wait3A_367 = arith.constant 0 : i32
      %dma_wait3A_368 = arith.constant 0 : i32
      %dma_wait3A_369 = tpu.memref_slice %arg6[%add3A, %dma_wait3A_367, %dma_wait3A_368] : memref<32x16x128xf32, #tpu.memory_space<hbm>> -> memref<1x16x128xf32, #tpu.memory_space<hbm>>
      %dma_wait3A_370 = tpu.memref_squeeze %dma_wait3A_369 : memref<1x16x128xf32, #tpu.memory_space<hbm>> -> memref<16x128xf32, #tpu.memory_space<hbm>>
      %dma_wait3A_371 = arith.constant 0 : i32
      %dma_wait3A_372 = arith.constant 0 : i32
      %dma_wait3A_373 = tpu.memref_slice %arg6[%add3A, %dma_wait3A_371, %dma_wait3A_372] : memref<32x16x128xf32, #tpu.memory_space<hbm>> -> memref<1x16x128xf32, #tpu.memory_space<hbm>>
      %dma_wait3A_374 = tpu.memref_squeeze %dma_wait3A_373 : memref<1x16x128xf32, #tpu.memory_space<hbm>> -> memref<16x128xf32, #tpu.memory_space<hbm>>
      tpu.wait_dma2 semaphore(%run_scoped3A : memref<!tpu.dma_semaphore, #tpu.memory_space<semaphore_mem>>) src(%arg9 : memref<16x128xf32, #tpu.memory_space<vmem>>) dst(%dma_wait3A_374 : memref<16x128xf32, #tpu.memory_space<hbm>>)
      tpu.yield
    }) : () -> ()
    "tpu.region"() ({
      %run_scoped3A = tpu.sem_alloc : memref<!tpu.dma_semaphore, #tpu.memory_space<semaphore_mem>>
      %dma_start3A_359 = arith.constant 0 : i32
      %dma_start3A_360 = arith.constant 0 : i32
      %dma_start3A_361 = tpu.memref_slice %arg7[%add3A, %dma_start3A_359, %dma_start3A_360] : memref<32x2x128xf32, #tpu.memory_space<hbm>> -> memref<1x2x128xf32, #tpu.memory_space<hbm>>
      %dma_start3A_362 = tpu.memref_squeeze %dma_start3A_361 : memref<1x2x128xf32, #tpu.memory_space<hbm>> -> memref<2x128xf32, #tpu.memory_space<hbm>>
      %dma_start3A_363 = arith.constant 0 : i32
      %dma_start3A_364 = arith.constant 0 : i32
      %dma_start3A_365 = tpu.memref_slice %arg7[%add3A, %dma_start3A_363, %dma_start3A_364] : memref<32x2x128xf32, #tpu.memory_space<hbm>> -> memref<1x2x128xf32, #tpu.memory_space<hbm>>
      %dma_start3A_366 = tpu.memref_squeeze %dma_start3A_365 : memref<1x2x128xf32, #tpu.memory_space<hbm>> -> memref<2x128xf32, #tpu.memory_space<hbm>>
      tpu.enqueue_dma source(%arg11 : memref<2x128xf32, #tpu.memory_space<vmem>>) target(%dma_start3A_366 : memref<2x128xf32, #tpu.memory_space<hbm>>) target_semaphore(%run_scoped3A : memref<!tpu.dma_semaphore, #tpu.memory_space<semaphore_mem>>)
      %dma_wait3A_367 = arith.constant 0 : i32
      %dma_wait3A_368 = arith.constant 0 : i32
      %dma_wait3A_369 = tpu.memref_slice %arg7[%add3A, %dma_wait3A_367, %dma_wait3A_368] : memref<32x2x128xf32, #tpu.memory_space<hbm>> -> memref<1x2x128xf32, #tpu.memory_space<hbm>>
      %dma_wait3A_370 = tpu.memref_squeeze %dma_wait3A_369 : memref<1x2x128xf32, #tpu.memory_space<hbm>> -> memref<2x128xf32, #tpu.memory_space<hbm>>
      %dma_wait3A_371 = arith.constant 0 : i32
      %dma_wait3A_372 = arith.constant 0 : i32
      %dma_wait3A_373 = tpu.memref_slice %arg7[%add3A, %dma_wait3A_371, %dma_wait3A_372] : memref<32x2x128xf32, #tpu.memory_space<hbm>> -> memref<1x2x128xf32, #tpu.memory_space<hbm>>
      %dma_wait3A_374 = tpu.memref_squeeze %dma_wait3A_373 : memref<1x2x128xf32, #tpu.memory_space<hbm>> -> memref<2x128xf32, #tpu.memory_space<hbm>>
      tpu.wait_dma2 semaphore(%run_scoped3A : memref<!tpu.dma_semaphore, #tpu.memory_space<semaphore_mem>>) src(%arg11 : memref<2x128xf32, #tpu.memory_space<vmem>>) dst(%dma_wait3A_374 : memref<2x128xf32, #tpu.memory_space<hbm>>)
      tpu.yield
    }) : () -> ()
    return
  }
}

</mosaic_0001>

<sc_bundles>
// kernel: kernel.3.cloned.1.call-start
scs
__scs_entry_jumppad:
0x0: {  	(pc) =	sbr.rel $0x88, $3  }
0x1: {  	(tag) =	ssettag $0x0;
	lr =	simm.s32 $0x1  }
0x2: {  	[smem:$0x3F9F] =	sst lr;
	_ =	strace $0xD0000000  }
0x3: {  	_ = 	snop  }
0x4: {  	_ = 	snop  }
0x5: {  	_ = 	snop  }
0x6: {  	_ = 	snop  }
0x7: {  	_ = 	snop  }
__scs_overlays_trampoline_lowered:
0x8: {  	[smem:$0x3FAE] =	sst s0  }
0x9: {  	[smem:$0x3FAF] =	sst s1  }
0xa: {  	[smem:$0x3FB0] =	sst s2  }
0xb: {  	[smem:$0x3FB1] =	sst s3  }
0xc: {  	[smem:$0x3FB2] =	sst s4  }
0xd: {  	[smem:$0x3FB3] =	sst s5  }
0xe: {  	[smem:$0x3FB4] =	sst s6  }
0xf: {  	[smem:$0x3FB5] =	sst s7  }
0x10: {  	[smem:$0x3FB6] =	sst s8  }
0x11: {  	[smem:$0x3FB7] =	sst s9;
	s0 =	simm.s32 @!p0 $0x0  }
0x12: {  	s1 =	sld [smem:$0x3F9D];
	s0 =	simm.s32 @p0 $0x1  }
0x13: {  	[smem:$0x3FB8] =	sst s0;
	s0 =	simm.s32 @!p1 $0x0  }
0x14: {  	s2 =	sld [smem:$0x3F9C];
	s0 =	simm.s32 @p1 $0x1  }
0x15: {  	[smem:$0x3FB9] =	sst s0;
	s0 =	simm.s32 @!p2 $0x0  }
0x16: {  	s3 =	sld [smem:$0x3FDB];
	s0 =	simm.s32 @p2 $0x1  }
0x17: {  	s4 =	simm.s32 $0x1BF5;
	[smem:$0x3FBB] =	sst s0  }
0x18: {  	s0 =	sld [smem:$0x3F9E];
	_ =	swait.ge [sflag:s4], $0x0  }
0x19: {  	s7 =	sld [smem:$0x3F9F]  }
0x1a: {  	s8 =	sadd.s32 $0xFFFFE003, lr  }
0x1b: {  	s9 =	sadd.s32 $0xFFFFFEF7, lr;
	s5 =	simm.s32 $0xFFFFFFFF;
	p2 =	slt.u32 s8, $0xFFFFF086  }
0x1c: {  	p1 =	slt.u32 s9, $0xF7A;
	s5 =	simm.s32 @!p2 $0x0  }
0x1d: {  	s5 =	simm.s32 @p1 $0x1;
	p0 =	seq.s32 s7, s2  }
0x1e: {  	s7 =	smul.u32 @!p0 $0xF7A, s2;
	p2 =	seq.s32 @!p0 s5, $0x0  }
0x1f: {  	s9 =	smul.u32 $0xF7A, s1;
	s8 =	simm.s32 @!p0 $0x1BF5;
	p2 =	por !p2, p0  }
0x20: {  	[sflag:s8] =	ssyncset.s32 @!p0 $0xFFFFF086;
	s6 =	sadd.s32 @!p0 s3, s7;
	s7 =	simm.s32 @!p0 $0x108  }
0x21: {  	s3 =	sadd.s32 s3, s9;
	s6 =	sadd.s32 @!p0 $0x88, s6;
	s7 =	simm.s32 @p2 $0x1082  }
0x22: {  	[simem:s7], [sflag:s8] =	dma.local @!p0 [hbm:s6], $0xF7A  }
0x23: {  	s9 =	sor.u32 $0xD0000000, s2;
	s6 =	simm.s32 $0x108;
	_ =	swait.ge @!p0 [sflag:s8], $0x0  }
0x24: {  	s3 =	sadd.s32 $0x88, s3;
	s6 =	simm.s32 @!p1 $0x1082;
	[sflag:s4] =	ssyncset.s32 $0xFFFFF086  }
0x25: {  	[simem:s6], [sflag:s4] =	dma.local [hbm:s3], $0xF7A  }
0x26: {  	[smem:$0x3F9F] =	sst s1;
	(tag) =	ssettag s2;
	_ =	strace s9  }
0x27: {  	s1 =	sld [smem:$0x3FAF]  }
0x28: {  	s2 =	sld [smem:$0x3FB0]  }
0x29: {  	s4 =	sld [smem:$0x3FB2]  }
0x2a: {  	p0 =	seq.s32 s5, $0x0;
	s5 =	sld [smem:$0x3FB3]  }
0x2b: {  	s6 =	sld [smem:$0x3FB4]  }
0x2c: {  	s7 =	sld [smem:$0x3FB5]  }
0x2d: {  	s3 =	simm.s32 $0x108;
	s8 =	sld [smem:$0x3FB6]  }
0x2e: {  	s3 =	simm.s32 @!p0 $0x1082;
	s9 =	sld [smem:$0x3FB7]  }
0x2f: {  	lr =	sadd.s32 s0, s3;
	s0 =	sld [smem:$0x3FAE]  }
0x30: {  	s3 =	sld [smem:$0x3FB1]  }
0x31: {  	[smem:$0x3FBA] =	sst s10  }
0x32: {  	s10 =	sld [smem:$0x3FB8];
	_ =	sdelay $0x3  }
0x33: {  	p0 =	seq.s32 s10, $0x1;
	s10 =	sld [smem:$0x3FBA];
	_ =	sdelay $0x3  }
0x34: {  	[smem:$0x3FBA] =	sst s10  }
0x35: {  	s10 =	sld [smem:$0x3FB9];
	_ =	sdelay $0x3  }
0x36: {  	p1 =	seq.s32 s10, $0x1;
	s10 =	sld [smem:$0x3FBA];
	_ =	sdelay $0x3  }
0x37: {  	[smem:$0x3FBA] =	sst s10  }
0x38: {  	s10 =	sld [smem:$0x3FBB]  }
0x39: {  	_ = 	snop;
	(pc) =	sbr.ind lr, $3  }
0x3a: {  	_ = 	snop  }
0x3b: {  	_ = 	snop  }
0x3c: {  	p2 =	seq.s32 s10, $0x1;
	s10 =	sld [smem:$0x3FBA]  }
0x3d: {  	_ =	shalt  }
0x3e: {  	_ =	shalt  }
0x3f: {  	_ =	shalt  }
0x40: {  	_ =	shalt  }
0x41: {  	_ =	shalt  }
0x42: {  	_ =	shalt  }
0x43: {  	_ =	shalt  }
0x44: {  	_ =	shalt  }
0x45: {  	_ =	shalt  }
0x46: {  	_ =	shalt  }
0x47: {  	_ =	shalt  }
0x48: {  	_ =	shalt  }
0x49: {  	_ =	shalt  }
0x4a: {  	_ =	shalt  }
0x4b: {  	_ =	shalt  }
0x4c: {  	_ =	shalt  }
0x4d: {  	_ =	shalt  }
0x4e: {  	_ =	shalt  }
0x4f: {  	_ =	shalt  }
0x50: {  	_ =	shalt  }
0x51: {  	_ =	shalt  }
0x52: {  	_ =	shalt  }
0x53: {  	_ =	shalt  }
0x54: {  	_ =	shalt  }
0x55: {  	_ =	shalt  }
0x56: {  	_ =	shalt  }
0x57: {  	_ =	shalt  }
0x58: {  	_ =	shalt  }
0x59: {  	_ =	shalt  }
0x5a: {  	_ =	shalt  }
0x5b: {  	_ =	shalt  }
0x5c: {  	_ =	shalt  }
0x5d: {  	_ =	shalt  }
0x5e: {  	_ =	shalt  }
0x5f: {  	_ =	shalt  }
0x60: {  	_ =	shalt  }
0x61: {  	_ =	shalt  }
0x62: {  	_ =	shalt  }
0x63: {  	_ =	shalt  }
0x64: {  	_ =	shalt  }
0x65: {  	_ =	shalt  }
0x66: {  	_ =	shalt  }
0x67: {  	_ =	shalt  }
0x68: {  	_ =	shalt  }
0x69: {  	_ =	shalt  }
0x6a: {  	_ =	shalt  }
0x6b: {  	_ =	shalt  }
0x6c: {  	_ =	shalt  }
0x6d: {  	_ =	shalt  }
0x6e: {  	_ =	shalt  }
0x6f: {  	_ =	shalt  }
0x70: {  	_ =	shalt  }
0x71: {  	_ =	shalt  }
0x72: {  	_ =	shalt  }
0x73: {  	_ =	shalt  }
0x74: {  	_ =	shalt  }
0x75: {  	_ =	shalt  }
0x76: {  	_ =	shalt  }
0x77: {  	_ =	shalt  }
0x78: {  	_ =	shalt  }
0x79: {  	_ =	shalt  }
0x7a: {  	_ =	shalt  }
0x7b: {  	_ =	shalt  }
0x7c: {  	_ =	shalt  }
0x7d: {  	_ =	shalt  }
0x7e: {  	_ =	shalt  }
0x7f: {  	_ =	shalt  }
0x80: {  	_ =	shalt  }
0x81: {  	_ =	shalt  }
0x82: {  	_ =	shalt  }
0x83: {  	_ =	shalt  }
0x84: {  	_ =	shalt  }
0x85: {  	_ =	shalt  }
0x86: {  	_ =	shalt  }
0x87: {  	_ =	shalt  }
.Lfunc_end0:
.L_simem_size_0:
called_computation_lowered:
.L_overlay_start_0:
0x88: {  	s2 =	sld [smem:$0x3FD9]  }
0x89: {  	s3 =	sld [smem:$0x3FFE];
	_ =	sdelay $0x1  }
0x8a: {  	s1 =	srdreg.scid  }
0x8b: {  	s0 =	sand.u32 $0x1, s1  }
0x8c: {  	s14 =	sshll.u32 s0, $0xA;
	s2 =	sadd.s32 s3, s2  }
0x8d: {  	s2 =	sadd.s32 s2, s14  }
0x8e: {  	[smem:$0x3FC6] =	sst s2  }
0x8f: {  	_ = 	snop  }
0x90: {  	s2 =	sld [smem:$0x3FD0];
	_ =	sdelay $0x2  }
0x91: {  	s15 =	simm.s32 $0xA;
	s4 =	simm.s32 $0x10  }
0x92: {  	[smem:s4], [sflag:s15] =	dma.local [hbm:s2], $0x1  }
0x93: {  	_ =	swait.eq [sflag:s15], $0x1  }
0x94: {  	[sflag:s15] =	ssyncset.done $0x0  }
0x95: {  	s16 =	sld [smem:$0x10];
	[sflag:s15] =	ssyncadd.s32 $0xFFFFFFFF  }
0x96: {  	s17 =	sld [smem:$0x11];
	(tm) =	ssettm $0x1  }
0x97: {  	s18 =	sld [smem:$0x3FFB];
	_ =	sdelay $0x3  }
0x98: {  	_ =	strace s18  }
0x99: {  	s4 =	sld [smem:$0x3FFC];
	_ =	sdelay $0x3  }
0x9a: {  	_ =	strace s4  }
0x9b: {  	s4 =	sld [smem:$0x3FFD];
	_ =	sdelay $0x3  }
0x9c: {  	_ =	strace s4  }
0x9d: {  	_ =	strace $0x8FFFFFFF  }
0x9e: {  	s19 =	sld [smem:$0x3FDB];
	_ =	sdelay $0x1  }
0x9f: {  	s5 =	simm.s32 $_scs_section_size  }
0xa0: {  	s6 =	simm.s32 $_size__tile_overlayer_lowered;
	s7 =	simm.s32 $_tile_overlayer_lowered  }
0xa1: {  	s22 =	simm.s32 $0x1BFF;
	s21 =	sshll.u32 s7, $0x1;
	s4 =	sadd.s32 s5, s19  }
0xa2: {  	s8 =	simm.s32 $0x0;
	s20 =	sshll.u32 s6, $0x1;
	s6 =	sadd.s32 s21, s4  }
0xa3: {  	[timem:s8], [sflag:s22] =	dma.local [hbm:s6], s20  }
0xa4: {  	_ =	swait.ge [sflag:s22], s20  }
0xa5: {  	s5 =	ssub.s32 $0x0, s20;
	[sflag:s22] =	ssyncset.done $0x0  }
0xa6: {  	[sflag:s22] =	ssyncadd.s32 s5;
	_ =	sdelay $0x1  }
0xa7: {  	s23 =	simm.s32 $0x1B8B  }
0xa8: {  	_ =	swait.ge [sflag:s23], $0x1  }
0xa9: {  	[sflag:s23] =	ssyncset.done $0x0  }
0xaa: {  	s25 =	simm.s32 $0x1B8E;
	s24 =	sld [smem:$0x3FFE];
	[sflag:s23] =	ssyncadd.s32 $0xFFFFFFFF  }
0xab: {  	s26 =	simm.s32 $execute0_lowered;
	[smem:$0x3FD2] =	sst s25  }
0xac: {  	s6 =	sshll.u32 s26, $0x1;
	_ =	strace $0x80000046;
	[dreg:$0x1] =	wrdreg $0xFFFFFFFF  }
0xad: {  	s28 =	simm.s32 $_size_execute0_lowered;
	s4 =	sadd.s32 s4, s6;
	[dreg:$0x0] =	wrdreg $0x0  }
0xae: {  	s6 =	sshll.u32 s28, $0x1;
	[dreg:$0x2] =	wrdreg s4  }
0xaf: {  	[dreg:$0x3] =	wrdreg s6  }
0xb0: {  	[dreg:$0x4] =	wrdreg $0xC0  }
0xb1: {  	_ =	task [dreg:s8], $0x5FFFF  }
0xb2: {  	[dreg:$0x1] =	wrdreg $0xFFFFFFFF  }
0xb3: {  	[dreg:$0x0] =	wrdreg $0x60  }
0xb4: {  	[dreg:$0x2] =	wrdreg s24  }
0xb5: {  	[dreg:$0x3] =	wrdreg s16  }
0xb6: {  	[dreg:$0x4] =	wrdreg s17  }
0xb7: {  	[dreg:$0x5] =	wrdreg $0x9  }
0xb8: {  	_ =	task.clear_ibuf [dreg:s8], $0x6FFFF;
	_ =	strace $0x90000046  }
0xb9: {  	s29 =	simm.s32 $0x9;
	_ =	strace $0x80000048  }
0xba: {  	_ =	swait.ge [sflag:s29], $0x1  }
0xbb: {  	[sflag:s29] =	ssyncadd.s32 $0xFFFFFFFF  }
0xbc: {  	_ =	strace $0x90000048  }
0xbd: {  	_ =	sfence  }
0xbe: {  	s30 =	sld [smem:$0x0];
	_ =	sdelay $0x2  }
0xbf: {  	s31 =	sshll.u32 s1, $0xD;
	s1 =	sshrl.u32 s1, $0x2  }
0xc0: {  	s3 =	sand.u32 $0x4000, s31;
	s1 =	sadd.s32 s1, s30  }
0xc1: {  	s0 =	sor.u32 s3, s0;
	s1 =	sshll.u32 s1, $0x11  }
0xc2: {  	s0 =	sor.u32 s1, s0  }
0xc3: {  	s0 =	sadd.s32 $0x8F2B, s0  }
0xc4: {  	[sflag:s0] =	ssyncadd.remote.s32 $0x1  }
0xc5: {  	_ =	sfence.sel $0xFFFF  }
0xc6: {  	[dreg:$0x0] =	wrdreg $0xFFFFFFFF;
	(pc) =	sbr.abs _section_cstart, $3  }
0xc7: {  	[dreg:$0x1] =	wrdreg $0xFFFFFFFF  }
0xc8: {  	_ =	task.clear_ibuf [dreg:s8], $0x2FFFF;
	_ =	strace $0x9FFFFFFF  }
0xc9: {  	(tm) =	ssettm $0x7FFFFFFF  }
tec
execute0_lowered:
.L_overlay_start_1:
0x0: {  	(tag) =	ssettag $0x1  }
0x1: {  	s26 =	rddreg [dreg:$0x0]  }
0x2: {  	s2 =	stileid.u32;
	s3 =	rddreg [dreg:$0x1]  }
0x3: {  	s4 =	rddreg [dreg:$0x2];
	s24 =	sshll.u32 s2, $0x1;
	s2 =	simm.s32 $0x0  }
0x4: {  	s8 =	simm.s32 $0x900;
	[smem:$0x7FF] =	sst s2  }
0x5: {  	s9 =	simm.s32 $0x180;
	_ =	strace $0x80000047;
	[dreg:$0xa] =	wrdreg s8  }
0x6: {  	s10 =	simm.s32 $0x980;
	[dreg:$0xb] =	wrdreg s9  }
0x7: {  	s11 =	simm.s32 $0x200;
	[dreg:$0xc] =	wrdreg s10  }
0x8: {  	s0 =	srdreg.scid;
	s12 =	simm.s32 $0xA00;
	[dreg:$0xd] =	wrdreg s11  }
0x9: {  	s13 =	simm.s32 $0x280;
	s14 =	simm.s32 $0xA80;
	[dreg:$0xe] =	wrdreg s12  }
0xa: {  	s15 =	simm.s32 $0x300;
	s1 =	sand.u32 $0x1, s0;
	[dreg:$0xf] =	wrdreg s13  }
0xb: {  	s17 =	simm.s32 $0xB00;
	s0 =	sor.u32 s1, s24;
	[dreg:$0x10] =	wrdreg s14  }
0xc: {  	s5 =	sshll.u32 s0, $0x8;
	s0 =	sshll.u32 s0, $0x5;
	[dreg:$0x11] =	wrdreg s15  }
0xd: {  	[dreg:$0x12] =	wrdreg s17;
	s6 =	sadd.s32 s5, s26;
	s3 =	sadd.s32 s3, s5  }
0xe: {  	s7 =	sadd.s32 s0, s26;
	s0 =	sadd.s32 s4, s0;
	[dreg:$0x6] =	wrdreg s3  }
0xf: {  	s6 =	sadd.s32 $0x3600, s6;
	[dreg:$0x7] =	wrdreg s0  }
0x10: {  	s25 =	sadd.s32 $0x5600, s7;
	[dreg:$0x4] =	wrdreg s6  }
0x11: {  	s7 =	simm.s32 $0x100;
	[dreg:$0x5] =	wrdreg s25  }
0x12: {  	s6 =	simm.s32 $0x880;
	[dreg:$0x9] =	wrdreg s7  }
0x13: {  	[dreg:$0x8] =	wrdreg s6  }
0x14: {  	s3 =	simm.s32 $0x2;
	s16 =	rddreg [dreg:$0x4]  }
0x15: {  	[tilespmem:s2], [sflag:$0x2] =	stream.linear.gather [hbm4b:s16+s2], $0x800, $0x38;
	[tilespmem:$0x1200] =	vst v63  }
0x16: {  	_ =	swait.ge [sflag:s3], $0x800  }
0x17: {  	[sflag:s3] =	ssyncset.done $0x0  }
0x18: {  	s4 =	simm.s32 $0x1000;
	s18 =	rddreg [dreg:$0x5];
	[sflag:s3] =	ssyncadd.s32 $0xFFFFF800  }
0x19: {  	[tilespmem:s4], [sflag:$0x2] =	stream.linear.gather [hbm4b:s18+s2], $0x100, $0x38;
	[tilespmem:$0x1200] =	vst v63  }
0x1a: {  	_ =	swait.ge [sflag:s3], $0x100  }
0x1b: {  	s19 =	rddreg [dreg:$0x12]  }
0x1c: {  	s8 =	rddreg [dreg:$0x10]  }
0x1d: {  	s5 =	sadd.s32 $0xF5200, s26;
	s9 =	rddreg [dreg:$0xe]  }
0x1e: {  	s7 =	simm.s32 $0x800;
	s10 =	rddreg [dreg:$0x9];
	[sflag:s3] =	ssyncset.done $0x0  }
0x1f: {  	s6 =	simm.s32 $0x80;
	s11 =	rddreg [dreg:$0x8];
	[sflag:s3] =	ssyncadd.s32 $0xFFFFFF00  }
0x20: {  	[tilespmem:s7], [sflag:$0x1] =	stream.indirect.gather [hbm4b:s5+s6], $0x1, s2, s6, $0xb8;
	[tilespmem:$0x1200] =	vst v63  }
0x21: {  	s12 =	rddreg [dreg:$0xa]  }
0x22: {  	[tilespmem:s11], [sflag:$0x1] =	stream.indirect.gather [hbm4b:s5+s6], $0x1, s6, s6, $0xb8;
	[tilespmem:$0x1200] =	vst v63  }
0x23: {  	s13 =	rddreg [dreg:$0xc]  }
0x24: {  	[tilespmem:s12], [sflag:$0x1] =	stream.indirect.gather [hbm4b:s5+s6], $0x1, s10, s6, $0xb8;
	[tilespmem:$0x1200] =	vst v63  }
0x25: {  	s20 =	rddreg [dreg:$0xb]  }
0x26: {  	[tilespmem:s13], [sflag:$0x1] =	stream.indirect.gather [hbm4b:s5+s6], $0x1, s20, s6, $0xb8;
	[tilespmem:$0x1200] =	vst v63  }
0x27: {  	s21 =	rddreg [dreg:$0xd]  }
0x28: {  	[tilespmem:s9], [sflag:$0x1] =	stream.indirect.gather [hbm4b:s5+s6], $0x1, s21, s6, $0xb8;
	[tilespmem:$0x1200] =	vst v63  }
0x29: {  	s22 =	rddreg [dreg:$0xf]  }
0x2a: {  	[tilespmem:s8], [sflag:$0x1] =	stream.indirect.gather [hbm4b:s5+s6], $0x1, s22, s6, $0xb8;
	[tilespmem:$0x1200] =	vst v63  }
0x2b: {  	s23 =	rddreg [dreg:$0x11]  }
0x2c: {  	[tilespmem:s19], [sflag:$0x1] =	stream.indirect.gather [hbm4b:s5+s6], $0x1, s23, s6, $0xb8;
	[tilespmem:$0x1200] =	vst v63  }
0x2d: {  	s24 =	simm.s32 $0x380;
	s25 =	simm.s32 $0xB80  }
0x2e: {  	[tilespmem:s25], [sflag:$0x1] =	stream.indirect.gather [hbm4b:s5+s6], $0x1, s24, s6, $0xb8;
	[tilespmem:$0x1200] =	vst v63  }
0x2f: {  	s9 =	simm.s32 $0xC00;
	s8 =	simm.s32 $0x400  }
0x30: {  	[tilespmem:s9], [sflag:$0x1] =	stream.indirect.gather [hbm4b:s5+s6], $0x1, s8, s6, $0xb8;
	[tilespmem:$0x1200] =	vst v63  }
0x31: {  	s11 =	simm.s32 $0xC80;
	s10 =	simm.s32 $0x480  }
0x32: {  	[tilespmem:s11], [sflag:$0x1] =	stream.indirect.gather [hbm4b:s5+s6], $0x1, s10, s6, $0xb8;
	[tilespmem:$0x1200] =	vst v63  }
0x33: {  	s14 =	simm.s32 $0x500;
	s15 =	simm.s32 $0xD00  }
0x34: {  	[tilespmem:s15], [sflag:$0x1] =	stream.indirect.gather [hbm4b:s5+s6], $0x1, s14, s6, $0xb8;
	[tilespmem:$0x1200] =	vst v63  }
0x35: {  	s17 =	simm.s32 $0xD80;
	s16 =	simm.s32 $0x580  }
0x36: {  	[tilespmem:s17], [sflag:$0x1] =	stream.indirect.gather [hbm4b:s5+s6], $0x1, s16, s6, $0xb8;
	[tilespmem:$0x1200] =	vst v63  }
0x37: {  	s18 =	simm.s32 $0x600;
	s19 =	simm.s32 $0xE00  }
0x38: {  	[tilespmem:s19], [sflag:$0x1] =	stream.indirect.gather [hbm4b:s5+s6], $0x1, s18, s6, $0xb8;
	[tilespmem:$0x1200] =	vst v63  }
0x39: {  	s20 =	simm.s32 $0x680;
	s21 =	simm.s32 $0xE80  }
0x3a: {  	[tilespmem:s21], [sflag:$0x1] =	stream.indirect.gather [hbm4b:s5+s6], $0x1, s20, s6, $0xb8;
	[tilespmem:$0x1200] =	vst v63  }
0x3b: {  	s22 =	simm.s32 $0x700;
	s23 =	simm.s32 $0xF00  }
0x3c: {  	[tilespmem:s23], [sflag:$0x1] =	stream.indirect.gather [hbm4b:s5+s6], $0x1, s22, s6, $0xb8;
	[tilespmem:$0x1200] =	vst v63  }
0x3d: {  	s24 =	simm.s32 $0x780;
	s25 =	simm.s32 $0xF80  }
0x3e: {  	[tilespmem:s25], [sflag:$0x1] =	stream.indirect.gather [hbm4b:s5+s6], $0x1, s24, s6, $0xb8;
	[tilespmem:$0x1200] =	vst v63  }
0x3f: {  	s28 =	sadd.s32 $0xE00, s26;
	s26 =	simm.s32 $0x1100  }
0x40: {  	[tilespmem:s26], [sflag:$0x1] =	stream.indirect.gather [hbm4b:s28+s6], $0x1, s4, s6, $0xb8;
	[tilespmem:$0x1200] =	vst v63  }
0x41: {  	s29 =	simm.s32 $0x1080;
	s30 =	simm.s32 $0x1180;
	s31 =	simm.s32 $0x1  }
0x42: {  	[tilespmem:s30], [sflag:$0x1] =	stream.indirect.gather [hbm4b:s28+s6], $0x1, s29, s6, $0xb8;
	[tilespmem:$0x1200] =	vst v63  }
0x43: {  	_ =	swait.ge [sflag:s31], $0x80  }
0x44: {  	[sflag:s31] =	ssyncset.done $0x0  }
0x45: {  	[sflag:s31] =	ssyncadd.s32 $0xFFFFFF80  }
0x46: {  	_ =	swait.ge [sflag:s31], $0x80  }
0x47: {  	[sflag:s31] =	ssyncset.done $0x0  }
0x48: {  	[sflag:s31] =	ssyncadd.s32 $0xFFFFFF80  }
0x49: {  	_ =	swait.ge [sflag:s31], $0x80  }
0x4a: {  	[sflag:s31] =	ssyncset.done $0x0  }
0x4b: {  	[sflag:s31] =	ssyncadd.s32 $0xFFFFFF80  }
0x4c: {  	_ =	swait.ge [sflag:s31], $0x80  }
0x4d: {  	[sflag:s31] =	ssyncset.done $0x0  }
0x4e: {  	[sflag:s31] =	ssyncadd.s32 $0xFFFFFF80  }
0x4f: {  	_ =	swait.ge [sflag:s31], $0x80  }
0x50: {  	[sflag:s31] =	ssyncset.done $0x0  }
0x51: {  	[sflag:s31] =	ssyncadd.s32 $0xFFFFFF80  }
0x52: {  	_ =	swait.ge [sflag:s31], $0x80  }
0x53: {  	[sflag:s31] =	ssyncset.done $0x0  }
0x54: {  	[sflag:s31] =	ssyncadd.s32 $0xFFFFFF80  }
0x55: {  	_ =	swait.ge [sflag:s31], $0x80  }
0x56: {  	[sflag:s31] =	ssyncset.done $0x0  }
0x57: {  	[sflag:s31] =	ssyncadd.s32 $0xFFFFFF80  }
0x58: {  	_ =	swait.ge [sflag:s31], $0x80  }
0x59: {  	[sflag:s31] =	ssyncset.done $0x0  }
0x5a: {  	[sflag:s31] =	ssyncadd.s32 $0xFFFFFF80  }
0x5b: {  	_ =	swait.ge [sflag:s31], $0x80  }
0x5c: {  	[sflag:s31] =	ssyncset.done $0x0  }
0x5d: {  	[sflag:s31] =	ssyncadd.s32 $0xFFFFFF80  }
0x5e: {  	_ =	swait.ge [sflag:s31], $0x80  }
0x5f: {  	[sflag:s31] =	ssyncset.done $0x0  }
0x60: {  	[sflag:s31] =	ssyncadd.s32 $0xFFFFFF80  }
0x61: {  	_ =	swait.ge [sflag:s31], $0x80  }
0x62: {  	[sflag:s31] =	ssyncset.done $0x0  }
0x63: {  	[sflag:s31] =	ssyncadd.s32 $0xFFFFFF80  }
0x64: {  	_ =	swait.ge [sflag:s31], $0x80  }
0x65: {  	[sflag:s31] =	ssyncset.done $0x0  }
0x66: {  	[sflag:s31] =	ssyncadd.s32 $0xFFFFFF80  }
0x67: {  	_ =	swait.ge [sflag:s31], $0x80  }
0x68: {  	[sflag:s31] =	ssyncset.done $0x0  }
0x69: {  	[sflag:s31] =	ssyncadd.s32 $0xFFFFFF80  }
0x6a: {  	_ =	swait.ge [sflag:s31], $0x80  }
0x6b: {  	[sflag:s31] =	ssyncset.done $0x0  }
0x6c: {  	[sflag:s31] =	ssyncadd.s32 $0xFFFFFF80  }
0x6d: {  	_ =	swait.ge [sflag:s31], $0x80  }
0x6e: {  	[sflag:s31] =	ssyncset.done $0x0  }
0x6f: {  	[sflag:s31] =	ssyncadd.s32 $0xFFFFFF80  }
0x70: {  	_ =	swait.ge [sflag:s31], $0x80  }
0x71: {  	[sflag:s31] =	ssyncset.done $0x0  }
0x72: {  	[sflag:s31] =	ssyncadd.s32 $0xFFFFFF80  }
0x73: {  	s12 =	ssub.s32 $0x2, s1;
	_ =	swait.ge [sflag:s31], $0x80  }
0x74: {  	s1 =	sshrl.u32 s12, $0x1;
	[sflag:s31] =	ssyncset.done $0x0  }
0x75: {  	s0 =	ssub.s32 s12, s1;
	[sflag:s31] =	ssyncadd.s32 $0xFFFFFF80  }
0x76: {  	s0 =	smax.u32 s0, $0x1;
	_ =	swait.ge [sflag:s31], $0x80  }
0x77: {  	p0 =	sne.s32 s0, $0x1;
	[sflag:s31] =	ssyncset.done $0x0  }
.Ltmp0:
0x78: {  	s13 =	rddreg [dreg:$0x6];
	[sflag:s31] =	ssyncadd.s32 $0xFFFFFF80;
	(pc) =	sbr.rel @!p0 .LBB2_2-.Ltmp0, $4  }
0x79: {  	[hbm4b:s13+s2] =	stream.linear.scatter [tilespmem:s7], [sflag:$0x2], $0x800, $0x38;
	[tilespmem:$0x1200] =	vst v63  }
0x7a: {  	_ =	swait.ge [sflag:s3], $0x800  }
0x7b: {  	[sflag:s3] =	ssyncset.done $0x0  }
0x7c: {  	s1 =	sadd.s32 $0xFFFFFFFF, s0;
	s0 =	rddreg [dreg:$0x7];
	[sflag:s3] =	ssyncadd.s32 $0xFFFFF800  }
.LBB2_1:
0x7d: {  	[hbm4b:s0+s2] =	stream.linear.scatter [tilespmem:s26], [sflag:$0x2], $0x100, $0x38;
	[tilespmem:$0x1200] =	vst v63  }
0x7e: {  	_ =	swait.ge [sflag:s3], $0x100  }
0x7f: {  	[sflag:s3] =	ssyncset.done $0x0  }
0x80: {  	s10 =	rddreg [dreg:$0x4];
	[sflag:s3] =	ssyncadd.s32 $0xFFFFFF00  }
0x81: {  	[tilespmem:s2], [sflag:$0x2] =	stream.linear.gather [hbm4b:s10+s2], $0x800, $0x38;
	[tilespmem:$0x1200] =	vst v63  }
0x82: {  	_ =	swait.ge [sflag:s3], $0x800  }
0x83: {  	[sflag:s3] =	ssyncset.done $0x0  }
0x84: {  	s11 =	rddreg [dreg:$0x5];
	[sflag:s3] =	ssyncadd.s32 $0xFFFFF800  }
0x85: {  	[tilespmem:s4], [sflag:$0x2] =	stream.linear.gather [hbm4b:s11+s2], $0x100, $0x38;
	[tilespmem:$0x1200] =	vst v63  }
0x86: {  	_ =	swait.ge [sflag:s3], $0x100  }
0x87: {  	s0 =	rddreg [dreg:$0x12]  }
0x88: {  	s8 =	rddreg [dreg:$0x10]  }
0x89: {  	s9 =	rddreg [dreg:$0xe]  }
0x8a: {  	[sflag:s3] =	ssyncset.done $0x0;
	s10 =	rddreg [dreg:$0x9]  }
0x8b: {  	s11 =	rddreg [dreg:$0x8];
	[sflag:s3] =	ssyncadd.s32 $0xFFFFFF00  }
0x8c: {  	[tilespmem:s7], [sflag:$0x1] =	stream.indirect.gather [hbm4b:s5+s6], $0x1, s2, s6, $0xb8;
	[tilespmem:$0x1200] =	vst v63  }
0x8d: {  	s12 =	rddreg [dreg:$0xa]  }
0x8e: {  	[tilespmem:s11], [sflag:$0x1] =	stream.indirect.gather [hbm4b:s5+s6], $0x1, s6, s6, $0xb8;
	[tilespmem:$0x1200] =	vst v63  }
0x8f: {  	s13 =	rddreg [dreg:$0xc]  }
0x90: {  	[tilespmem:s12], [sflag:$0x1] =	stream.indirect.gather [hbm4b:s5+s6], $0x1, s10, s6, $0xb8;
	[tilespmem:$0x1200] =	vst v63  }
0x91: {  	s11 =	rddreg [dreg:$0xb]  }
0x92: {  	[tilespmem:s13], [sflag:$0x1] =	stream.indirect.gather [hbm4b:s5+s6], $0x1, s11, s6, $0xb8;
	[tilespmem:$0x1200] =	vst v63  }
0x93: {  	s12 =	rddreg [dreg:$0xd]  }
0x94: {  	[tilespmem:s9], [sflag:$0x1] =	stream.indirect.gather [hbm4b:s5+s6], $0x1, s12, s6, $0xb8;
	[tilespmem:$0x1200] =	vst v63  }
0x95: {  	s13 =	rddreg [dreg:$0xf]  }
0x96: {  	[tilespmem:s8], [sflag:$0x1] =	stream.indirect.gather [hbm4b:s5+s6], $0x1, s13, s6, $0xb8;
	[tilespmem:$0x1200] =	vst v63  }
0x97: {  	s10 =	rddreg [dreg:$0x11]  }
0x98: {  	[tilespmem:s0], [sflag:$0x1] =	stream.indirect.gather [hbm4b:s5+s6], $0x1, s10, s6, $0xb8;
	[tilespmem:$0x1200] =	vst v63  }
0x99: {  	s12 =	simm.s32 $0x380;
	s13 =	simm.s32 $0xB80  }
0x9a: {  	[tilespmem:s13], [sflag:$0x1] =	stream.indirect.gather [hbm4b:s5+s6], $0x1, s12, s6, $0xb8;
	[tilespmem:$0x1200] =	vst v63  }
0x9b: {  	s9 =	simm.s32 $0x400;
	s10 =	simm.s32 $0xC00  }
0x9c: {  	[tilespmem:s10], [sflag:$0x1] =	stream.indirect.gather [hbm4b:s5+s6], $0x1, s9, s6, $0xb8;
	[tilespmem:$0x1200] =	vst v63  }
0x9d: {  	s11 =	simm.s32 $0x480;
	s12 =	simm.s32 $0xC80  }
0x9e: {  	[tilespmem:s12], [sflag:$0x1] =	stream.indirect.gather [hbm4b:s5+s6], $0x1, s11, s6, $0xb8;
	[tilespmem:$0x1200] =	vst v63  }
0x9f: {  	_ = 	snop  }
0xa0: {  	[tilespmem:s15], [sflag:$0x1] =	stream.indirect.gather [hbm4b:s5+s6], $0x1, s14, s6, $0xb8;
	[tilespmem:$0x1200] =	vst v63  }
0xa1: {  	_ = 	snop  }
0xa2: {  	[tilespmem:s17], [sflag:$0x1] =	stream.indirect.gather [hbm4b:s5+s6], $0x1, s16, s6, $0xb8;
	[tilespmem:$0x1200] =	vst v63  }
0xa3: {  	_ = 	snop  }
0xa4: {  	[tilespmem:s19], [sflag:$0x1] =	stream.indirect.gather [hbm4b:s5+s6], $0x1, s18, s6, $0xb8;
	[tilespmem:$0x1200] =	vst v63  }
0xa5: {  	_ = 	snop  }
0xa6: {  	[tilespmem:s21], [sflag:$0x1] =	stream.indirect.gather [hbm4b:s5+s6], $0x1, s20, s6, $0xb8;
	[tilespmem:$0x1200] =	vst v63  }
0xa7: {  	_ = 	snop  }
0xa8: {  	[tilespmem:s23], [sflag:$0x1] =	stream.indirect.gather [hbm4b:s5+s6], $0x1, s22, s6, $0xb8;
	[tilespmem:$0x1200] =	vst v63  }
0xa9: {  	_ = 	snop  }
0xaa: {  	[tilespmem:s25], [sflag:$0x1] =	stream.indirect.gather [hbm4b:s5+s6], $0x1, s24, s6, $0xb8;
	[tilespmem:$0x1200] =	vst v63  }
0xab: {  	_ = 	snop  }
0xac: {  	[tilespmem:s26], [sflag:$0x1] =	stream.indirect.gather [hbm4b:s28+s6], $0x1, s4, s6, $0xb8;
	[tilespmem:$0x1200] =	vst v63  }
0xad: {  	_ = 	snop  }
0xae: {  	[tilespmem:s30], [sflag:$0x1] =	stream.indirect.gather [hbm4b:s28+s6], $0x1, s29, s6, $0xb8;
	[tilespmem:$0x1200] =	vst v63  }
0xaf: {  	_ =	swait.ge [sflag:s31], $0x80  }
0xb0: {  	[sflag:s31] =	ssyncset.done $0x0  }
0xb1: {  	[sflag:s31] =	ssyncadd.s32 $0xFFFFFF80  }
0xb2: {  	_ =	swait.ge [sflag:s31], $0x80  }
0xb3: {  	[sflag:s31] =	ssyncset.done $0x0  }
0xb4: {  	[sflag:s31] =	ssyncadd.s32 $0xFFFFFF80  }
0xb5: {  	_ =	swait.ge [sflag:s31], $0x80  }
0xb6: {  	[sflag:s31] =	ssyncset.done $0x0  }
0xb7: {  	[sflag:s31] =	ssyncadd.s32 $0xFFFFFF80  }
0xb8: {  	_ =	swait.ge [sflag:s31], $0x80  }
0xb9: {  	[sflag:s31] =	ssyncset.done $0x0  }
0xba: {  	[sflag:s31] =	ssyncadd.s32 $0xFFFFFF80  }
0xbb: {  	_ =	swait.ge [sflag:s31], $0x80  }
0xbc: {  	[sflag:s31] =	ssyncset.done $0x0  }
0xbd: {  	[sflag:s31] =	ssyncadd.s32 $0xFFFFFF80  }
0xbe: {  	_ =	swait.ge [sflag:s31], $0x80  }
0xbf: {  	[sflag:s31] =	ssyncset.done $0x0  }
0xc0: {  	[sflag:s31] =	ssyncadd.s32 $0xFFFFFF80  }
0xc1: {  	_ =	swait.ge [sflag:s31], $0x80  }
0xc2: {  	[sflag:s31] =	ssyncset.done $0x0  }
0xc3: {  	[sflag:s31] =	ssyncadd.s32 $0xFFFFFF80  }
0xc4: {  	_ =	swait.ge [sflag:s31], $0x80  }
0xc5: {  	[sflag:s31] =	ssyncset.done $0x0  }
0xc6: {  	[sflag:s31] =	ssyncadd.s32 $0xFFFFFF80  }
0xc7: {  	_ =	swait.ge [sflag:s31], $0x80  }
0xc8: {  	[sflag:s31] =	ssyncset.done $0x0  }
0xc9: {  	[sflag:s31] =	ssyncadd.s32 $0xFFFFFF80  }
0xca: {  	_ =	swait.ge [sflag:s31], $0x80  }
0xcb: {  	[sflag:s31] =	ssyncset.done $0x0  }
0xcc: {  	[sflag:s31] =	ssyncadd.s32 $0xFFFFFF80  }
0xcd: {  	_ =	swait.ge [sflag:s31], $0x80  }
0xce: {  	[sflag:s31] =	ssyncset.done $0x0  }
0xcf: {  	[sflag:s31] =	ssyncadd.s32 $0xFFFFFF80  }
0xd0: {  	_ =	swait.ge [sflag:s31], $0x80  }
0xd1: {  	[sflag:s31] =	ssyncset.done $0x0  }
0xd2: {  	[sflag:s31] =	ssyncadd.s32 $0xFFFFFF80  }
0xd3: {  	_ =	swait.ge [sflag:s31], $0x80  }
0xd4: {  	[sflag:s31] =	ssyncset.done $0x0  }
0xd5: {  	[sflag:s31] =	ssyncadd.s32 $0xFFFFFF80  }
0xd6: {  	_ =	swait.ge [sflag:s31], $0x80  }
0xd7: {  	[sflag:s31] =	ssyncset.done $0x0  }
0xd8: {  	[sflag:s31] =	ssyncadd.s32 $0xFFFFFF80  }
0xd9: {  	_ =	swait.ge [sflag:s31], $0x80  }
0xda: {  	[sflag:s31] =	ssyncset.done $0x0  }
0xdb: {  	[sflag:s31] =	ssyncadd.s32 $0xFFFFFF80  }
0xdc: {  	_ =	swait.ge [sflag:s31], $0x80  }
0xdd: {  	[sflag:s31] =	ssyncset.done $0x0  }
0xde: {  	[sflag:s31] =	ssyncadd.s32 $0xFFFFFF80  }
0xdf: {  	_ =	swait.ge [sflag:s31], $0x80  }
0xe0: {  	[sflag:s31] =	ssyncset.done $0x0  }
0xe1: {  	[sflag:s31] =	ssyncadd.s32 $0xFFFFFF80  }
0xe2: {  	_ =	swait.ge [sflag:s31], $0x80  }
0xe3: {  	p0 =	sne.s32 s1, $0x1;
	[sflag:s31] =	ssyncset.done $0x0  }
.Ltmp1:
0xe4: {  	s13 =	rddreg [dreg:$0x6];
	[sflag:s31] =	ssyncadd.s32 $0xFFFFFF80;
	(pc) =	sbr.rel @p0 .LBB2_1-.Ltmp1, $4  }
0xe5: {  	[hbm4b:s13+s2] =	stream.linear.scatter [tilespmem:s7], [sflag:$0x2], $0x800, $0x38;
	[tilespmem:$0x1200] =	vst v63  }
0xe6: {  	_ =	swait.ge [sflag:s3], $0x800  }
0xe7: {  	[sflag:s3] =	ssyncset.done $0x0  }
0xe8: {  	s1 =	sadd.s32 $0xFFFFFFFF, s1;
	s0 =	rddreg [dreg:$0x7];
	[sflag:s3] =	ssyncadd.s32 $0xFFFFF800  }
.LBB2_2:
0xe9: {  	[hbm4b:s0+s2] =	stream.linear.scatter [tilespmem:s26], [sflag:$0x2], $0x100, $0x38;
	[tilespmem:$0x1200] =	vst v63  }
0xea: {  	_ =	swait.ge [sflag:s3], $0x100  }
0xeb: {  	[sflag:s3] =	ssyncset.done $0x0  }
0xec: {  	[sflag:s3] =	ssyncadd.s32 $0xFFFFFF00  }
0xed: {  	_ =	sfence.sel $0x180000  }
0xee: {  	[bflag:$0x0] =	sbarrier.arrive $0xFFFF  }
0xef: {  	_ =	strace $0x90000047  }
0xf0: {  	s31 =	stileid.u32;
	[bflag:$0x2] =	sbarrier.arrive $0xFFFF  }
0xf1: {  	p0 =	sne.s32 s31, $0x0;
	s0 =	rddreg [dreg:$0x3]  }
0xf2: {  	s0 =	sadd.s32 @!p0 $0x100000, s0  }
0xf3: {  	[sflag:s0] =	ssyncadd.tile.s32 @!p0 $0x1;
	_ =	shalt  }
.Lfunc_end2:
_tile_overlayer_lowered:
.L_overlay_start_2:
0xf4: {  	(tag) =	ssettag $0x2  }
0xf5: {  	s0 =	rddreg [dreg:$0x0];
	s2 =	stileid.u32  }
0xf6: {  	s1 =	rddreg [dreg:$0x1];
	p0 =	sne.s32 s2, $0x0  }
0xf7: {  	s3 =	rddreg [dreg:$0x2];
	[bflag:$0x3] =	sbarrier.arrive $0xFFFF;
	s2 =	simm.s32 @!p0 $0x1C02  }
0xf8: {  	[timem:s3], [sflag:s2] =	dma.local @!p0 [hbm:s0], s1  }
0xf9: {  	s0 =	simm.s32 @!p0 $0x2  }
0xfa: {  	_ =	swait.ge @!p0 [sflag:s0], s1  }
0xfb: {  	s1 =	ssub.s32 @!p0 $0x0, s1;
	[sflag:s0] =	ssyncset.done @!p0 $0x0  }
0xfc: {  	[sflag:s0] =	ssyncadd.s32 @!p0 s1  }
0xfd: {  	[bflag:$0x3] =	sbarrier.arrive $0xFFFF  }
0xfe: {  	_ =	shalt  }

</sc_bundles>
